<compile_context>
chip_gen: v7x
topology: tpu7x:2x2x1
jax: 0.10.2.dev20260603
libtpu: 0.0.44.dev20260713+nightly
codegen_flags: <defaults>
</compile_context>

<pallas_src>
import functools

import jax
import jax.numpy as jnp
from jax import lax
from jax.experimental import pallas as pl
from jax.experimental.pallas import tpu as pltpu
from jax.experimental.pallas import tpu_sc as plsc

_F32 = jnp.float32
_I32 = jnp.int32


def _prep1_body(rot_ref, t_ref, a12_ref):
    q = rot_ref[...]
    norm = jnp.sqrt(jnp.sum(q * q, axis=1, keepdims=True))
    qn = q / jnp.maximum(norm, 1e-8)
    qw = qn[:, 0:1]
    qx = qn[:, 1:2]
    qy = qn[:, 2:3]
    qz = qn[:, 3:4]
    xx = qx * qx
    yy = qy * qy
    zz = qz * qz
    xy = qx * qy
    xz = qx * qz
    yz = qy * qz
    wx = qw * qx
    wy = qw * qy
    wz = qw * qz
    one = jnp.ones_like(qw)
    r00 = one - 2.0 * (yy + zz)
    r01 = 2.0 * (xy + wz)
    r02 = 2.0 * (xz - wy)
    r10 = 2.0 * (xy - wz)
    r11 = one - 2.0 * (xx + zz)
    r12 = 2.0 * (yz + wx)
    r20 = 2.0 * (xz + wy)
    r21 = 2.0 * (yz - wx)
    r22 = one - 2.0 * (xx + yy)
    t = t_ref[...]
    tx = t[:, 0:1]
    ty = t[:, 1:2]
    tz = t[:, 2:3]
    c0 = -(r00 * tx + r01 * ty + r02 * tz)
    c1 = -(r10 * tx + r11 * ty + r12 * tz)
    c2 = -(r20 * tx + r21 * ty + r22 * tz)
    a12_ref[...] = jnp.concatenate(
        [r00, r10, r20, r01, r11, r21, r02, r12, r22, c0, c1, c2], axis=1)


def _prep2_body(abig_ref, wp_ref, feat_ref, wc_ref, bc_ref, bp_ref,
                g_ref, bias_ref):
    g_ref[...] = jnp.dot(abig_ref[...], wp_ref[...],
                         preferred_element_type=_F32)
    bias_ref[...] = (
        jnp.dot(feat_ref[...], wc_ref[...], preferred_element_type=_F32)
        + bc_ref[...] + bp_ref[...])


def _ptm_body(paug_ref, a_ref, ptm_ref):
    ptm_ref[0] = jnp.dot(paug_ref[0], a_ref[0], preferred_element_type=_F32)


def _sc_compact_body(mask_hbm, paug_hbm, idx_hbm, cp_hbm, cnt_hbm,
                     mask_v, paug_v, idx_v, cp_v, cnt_v, *, Q, M):
    c = lax.axis_index("c")
    s = lax.axis_index("s")
    seg = c * 8 + s

    @pl.when(s < 8)
    def _():
        b = seg // M
        pltpu.sync_copy(mask_hbm.at[seg], mask_v)
        pltpu.sync_copy(paug_hbm.at[b], paug_v)
        sentinel = jnp.full((16,), Q, _I32)

        def pre(j, carry):
            idx_v[pl.ds(j * 16, 16)] = sentinel
            return carry

        lax.fori_loop(0, (Q + 16) // 16, pre, 0)

        def cmp(j, off):
            mv = mask_v[pl.ds(j * 16, 16)]
            qi = lax.iota(_I32, 16) + j * 16
            pos = off + plsc.cumsum(mv) - mv
            plsc.store_scatter(idx_v, [pos], qi, mask=mv > 0)
            return off + jnp.sum(mv)

        k = lax.fori_loop(0, Q // 16, cmp, jnp.int32(0))
        cnt_v[...] = jnp.zeros((16,), _I32) + k
        pltpu.sync_copy(cnt_v, cnt_hbm.at[seg])

        ones = jnp.ones((16,), _F32)

        def gat(j, carry):
            iv = idx_v[pl.ds(j * 16, 16)]
            base = iv * 4
            rowi = (lax.iota(_I32, 16) + j * 16) * 4
            for ci in range(3):
                comp = plsc.load_gather(paug_v, [base + ci])
                plsc.store_scatter(cp_v, [rowi + ci], comp)
            plsc.store_scatter(cp_v, [rowi + 3], ones)
            return carry

        lax.fori_loop(0, Q // 16, gat, 0)
        pltpu.sync_copy(idx_v.at[pl.ds(0, Q)], idx_hbm.at[seg])
        pltpu.sync_copy(cp_v, cp_hbm.at[seg])


def _mlp_body(cnt_ref, cp_ref, g_ref, bias_ref, w1_ref, b1_ref, w2_ref,
              b2_ref, wout_ref, bout_ref, out_ref, *, T):
    s = pl.program_id(0)
    cnt = cnt_ref[s]
    nblk = (cnt + T - 1) // T
    g = g_ref[0]
    bias = bias_ref[0]
    w1 = w1_ref[...]
    b1 = b1_ref[...]
    w2 = w2_ref[...]
    b2 = b2_ref[...]
    wout = wout_ref[...]
    bout = bout_ref[...]

    def step(i, carry):
        for k in range(2):
            x = cp_ref[0, pl.ds((2 * i + k) * T, T), :]
            net = jnp.dot(x, g, preferred_element_type=_F32) + bias
            h = jnp.dot(jnp.maximum(net, 0.0), w1,
                        preferred_element_type=_F32) + b1
            h = jnp.dot(jnp.maximum(h, 0.0), w2,
                        preferred_element_type=_F32) + b2
            net = net + h
            occ = (jnp.sum(jnp.maximum(net, 0.0) * wout,
                           axis=1, keepdims=True) + bout)
            out_ref[0, :, pl.ds((2 * i + k) * T, T)] = (
                jax.nn.sigmoid(10.0 * occ).T)
        return carry

    lax.fori_loop(0, (nblk + 1) // 2, step, 0)


def _sc_scatter_body(sig_hbm, idx_hbm, imp_hbm, sig_v, idx_v, out_v, *, Q):
    c = lax.axis_index("c")
    s = lax.axis_index("s")
    seg = c * 8 + s

    @pl.when(s < 8)
    def _():
        pltpu.sync_copy(sig_hbm.at[seg], sig_v)
        pltpu.sync_copy(idx_hbm.at[seg], idx_v)
        zero = jnp.zeros((16,), _F32)

        def zer(j, carry):
            out_v[pl.ds(j * 16, 16)] = zero
            return carry

        lax.fori_loop(0, (Q + 16) // 16, zer, 0)

        def sca(j, carry):
            iv = idx_v[pl.ds(j * 16, 16)]
            sv = sig_v[pl.ds(j * 16, 16)]
            plsc.store_scatter(out_v, [iv], sv)
            return carry

        lax.fori_loop(0, Q // 16, sca, 0)
        pltpu.sync_copy(out_v.at[pl.ds(0, Q)], imp_hbm.at[seg])


def kernel(ray_points, translations, rotations, part_shape_features,
           points_mask, W_p, b_p, W_c, b_c, W1, b1, W2, b2, W_out, b_out):
    B, N, P, _ = ray_points.shape
    M = translations.shape[1]
    C = part_shape_features.shape[-1]
    H = W_p.shape[1]
    Q = N * P
    S = B * M

    a12 = pl.pallas_call(
        _prep1_body,
        out_shape=jax.ShapeDtypeStruct((S, 12), _F32),
    )(rotations.reshape(S, 4), translations.reshape(S, 3))

    abig = a12.reshape(S * 4, 3)
    a = a12.reshape(B, M, 4, 3).transpose(0, 2, 1, 3).reshape(B, 4, M * 3)

    g, bias = pl.pallas_call(
        _prep2_body,
        out_shape=(
            jax.ShapeDtypeStruct((S * 4, H), _F32),
            jax.ShapeDtypeStruct((S, H), _F32),
        ),
    )(abig, W_p, part_shape_features.reshape(S, C), W_c,
      b_c.reshape(1, H), b_p.reshape(1, H))

    pts = ray_points.reshape(B, Q, 3)
    paug = jnp.concatenate([pts, jnp.ones((B, Q, 1), _F32)], axis=-1)

    TP = 2048
    ptm = pl.pallas_call(
        _ptm_body,
        grid=(B, Q // TP),
        in_specs=[
            pl.BlockSpec((1, TP, 4), lambda b, i: (b, i, 0)),
            pl.BlockSpec((1, 4, M * 3), lambda b, i: (b, 0, 0)),
        ],
        out_specs=pl.BlockSpec((1, TP, M * 3), lambda b, i: (b, i, 0)),
        out_shape=jax.ShapeDtypeStruct((B, Q, M * 3), _F32),
        compiler_params=pltpu.CompilerParams(
            dimension_semantics=("parallel", "parallel")),
    )(paug, a)

    mask_t = (points_mask.reshape(B, Q, M).transpose(0, 2, 1)
              .reshape(S, Q).astype(_I32))
    paug_pad = jnp.concatenate(
        [paug, jnp.zeros((B, 16, 4), _F32)], axis=1).reshape(B, (Q + 16) * 4)

    mesh = plsc.VectorSubcoreMesh(core_axis_name="c", subcore_axis_name="s")
    idx, cp, cnt = pl.kernel(
        functools.partial(_sc_compact_body, Q=Q, M=M),
        out_type=(
            jax.ShapeDtypeStruct((S, Q), _I32),
            jax.ShapeDtypeStruct((S, Q * 4), _F32),
            jax.ShapeDtypeStruct((S, 16), _I32),
        ),
        mesh=mesh,
        scratch_types=[
            pltpu.VMEM((Q,), _I32),
            pltpu.VMEM(((Q + 16) * 4,), _F32),
            pltpu.VMEM((Q + 16,), _I32),
            pltpu.VMEM((Q * 4,), _F32),
            pltpu.VMEM((16,), _I32),
        ],
        compiler_params=pltpu.CompilerParams(needs_layout_passes=False),
    )(mask_t, paug_pad)

    counts = cnt[:, 0]

    T = 512
    sig = pl.pallas_call(
        functools.partial(_mlp_body, T=T),
        grid_spec=pltpu.PrefetchScalarGridSpec(
            num_scalar_prefetch=1,
            grid=(S,),
            in_specs=[
                pl.BlockSpec((1, Q, 4), lambda s, cnt: (s, 0, 0)),
                pl.BlockSpec((1, 4, H), lambda s, cnt: (s, 0, 0)),
                pl.BlockSpec((1, 1, H), lambda s, cnt: (s, 0, 0)),
                pl.BlockSpec((H, H), lambda s, cnt: (0, 0)),
                pl.BlockSpec((1, H), lambda s, cnt: (0, 0)),
                pl.BlockSpec((H, H), lambda s, cnt: (0, 0)),
                pl.BlockSpec((1, H), lambda s, cnt: (0, 0)),
                pl.BlockSpec((1, H), lambda s, cnt: (0, 0)),
                pl.BlockSpec((1, 1), lambda s, cnt: (0, 0)),
            ],
            out_specs=pl.BlockSpec((1, 1, Q), lambda s, cnt: (s, 0, 0)),
        ),
        out_shape=jax.ShapeDtypeStruct((S, 1, Q), _F32),
        compiler_params=pltpu.CompilerParams(
            dimension_semantics=("arbitrary",)),
    )(counts, cp.reshape(S, Q, 4), g.reshape(S, 4, H), bias.reshape(S, 1, H),
      W1, b1.reshape(1, H), W2, b2.reshape(1, H), W_out.reshape(1, H),
      b_out.reshape(1, 1))

    imp_t = pl.kernel(
        functools.partial(_sc_scatter_body, Q=Q),
        out_type=jax.ShapeDtypeStruct((S, Q), _F32),
        mesh=plsc.VectorSubcoreMesh(core_axis_name="c",
                                    subcore_axis_name="s"),
        scratch_types=[
            pltpu.VMEM((Q,), _F32),
            pltpu.VMEM((Q,), _I32),
            pltpu.VMEM((Q + 16,), _F32),
        ],
        compiler_params=pltpu.CompilerParams(needs_layout_passes=False),
    )(sig.reshape(S, Q), idx)

    implicit_field = (imp_t.reshape(B, M, Q).transpose(0, 2, 1)
                      .reshape(B, N, P, M))
    points_transformed = ptm.reshape(B, N, P, M * 3)
    return implicit_field, points_transformed

# --- scband reference (transcript-rebuilt; emitter-appended) ---
"""Pipeline reference for scband-mini-occupancy-with-ellipsoids-masking-function-37623913513390 (READ-ONLY COPY).

The authoritative reference and input builder live on the scoring server;
editing this copy changes nothing except your own understanding.
"""

import jax, jax.numpy as jnp
import numpy as np

S_IN = 10.0
S_OUT = 10.0
HIDDEN = 256

def _quat_rotate_inv(q, v):
    # q: [B, M, 4] (w, x, y, z); v: [B, Q, M, 3]; rotate by conjugate (world -> primitive frame)
    q = q / jnp.clip(jnp.linalg.norm(q, axis=-1, keepdims=True), 1e-8)
    w = q[..., 0][:, None, :, None]
    u = -q[..., 1:4][:, None, :, :]
    t = 2.0 * jnp.cross(u, v)
    return v + w * t + jnp.cross(u, t)

def _occnet(p, c, W_p, b_p, W_c, b_c, W1, b1, W2, b2, W_out, b_out):
    # p: [B, Q, M, 3]; c: [B, M, C] -> occupancy logits [B, Q, M]
    net = p @ W_p + b_p
    net = net + (c @ W_c + b_c)[:, None, :, :]
    h = jax.nn.relu(net) @ W1 + b1
    h = jax.nn.relu(h) @ W2 + b2
    net = net + h
    out = jax.nn.relu(net) @ W_out + b_out
    return out[..., 0]

def _inside_outside_sigmoid(F):
    return jnp.where(F >= 0.0, jax.nn.sigmoid(S_IN * F), jax.nn.sigmoid(S_OUT * F))

def setup_inputs(seed: int = 0):
    key = jax.random.key(seed)
    ks = jax.random.split(key, 16)
    B, N, P, M, C = 2, 128, 32, 8, 128
    ray_points = jax.random.normal(ks[0], (B, N, P, 3), dtype=jnp.float32)
    translations = jax.random.normal(ks[1], (B, M, 3), dtype=jnp.float32)
    rotations = jax.random.normal(ks[2], (B, M, 4), dtype=jnp.float32)
    part_shape_features = jax.random.normal(ks[3], (B, M, C), dtype=jnp.float32)
    points_mask = jax.random.bernoulli(ks[4], 0.5, (B, N * P, M))
    def lin(k, fi, fo):
        return jax.random.normal(k, (fi, fo), dtype=jnp.float32) * (1.0 / np.sqrt(fi))
    return dict(
        ray_points=ray_points, translations=translations, rotations=rotations,
        part_shape_features=part_shape_features, points_mask=points_mask,
        W_p=lin(ks[5], 3, HIDDEN), b_p=jnp.zeros((HIDDEN,), jnp.float32),
        W_c=lin(ks[6], C, HIDDEN), b_c=jnp.zeros((HIDDEN,), jnp.float32),
        W1=lin(ks[7], HIDDEN, HIDDEN), b1=jnp.zeros((HIDDEN,), jnp.float32),
        W2=lin(ks[8], HIDDEN, HIDDEN), b2=jnp.zeros((HIDDEN,), jnp.float32),
        W_out=lin(ks[9], HIDDEN, 1), b_out=jnp.zeros((1,), jnp.float32),
    )

def reference(ray_points, translations, rotations, part_shape_features, points_mask,
              W_p, b_p, W_c, b_c, W1, b1, W2, b2, W_out, b_out):
    B, N, P, _ = ray_points.shape
    M = translations.shape[1]
    pts = ray_points.reshape(B, N * P, 3)
    pts_t = _quat_rotate_inv(rotations, pts[:, :, None, :] - translations[:, None, :, :])
    occ = _occnet(pts_t, part_shape_features, W_p, b_p, W_c, b_c, W1, b1, W2, b2, W_out, b_out)
    F = jnp.where(points_mask, occ, -100.0)
    implicit_field = _inside_outside_sigmoid(F).reshape(B, N, P, M)
    points_transformed = pts_t.reshape(B, N, P, M * 3)
    return implicit_field, points_transformed

if __name__ == "__main__":
    import jax
    _d = setup_inputs()
    print(jax.jit(kernel)(*tuple(_d.values())))

</pallas_src>

<mosaic_0001>
#map = affine_map<(d0, d1) -> (0, 0)>
module attributes {stable_mosaic.version = 14 : i64} {
  func.func @_sc_compact_body(%arg0: i32, %arg1: i32, %arg2: memref<16x4096xi32, #tpu.memory_space<hbm>>, %arg3: memref<2x16448xf32, #tpu.memory_space<hbm>>, %arg4: memref<16x4096xi32, #tpu.memory_space<hbm>>, %arg5: memref<16x16384xf32, #tpu.memory_space<hbm>>, %arg6: memref<16x16xi32, #tpu.memory_space<hbm>>, %arg7: memref<4096xi32, #tpu.memory_space<vmem>>, %arg8: memref<16448xf32, #tpu.memory_space<vmem>>, %arg9: memref<4112xi32, #tpu.memory_space<vmem>>, %arg10: memref<16384xf32, #tpu.memory_space<vmem>>, %arg11: memref<16xi32, #tpu.memory_space<vmem>>) attributes {dimension_semantics = [#tpu.dimension_semantics<core_parallel>, #tpu.dimension_semantics<subcore_parallel>], iteration_bounds = array<i64: 2, 16>, scalar_prefetch = 0 : i64, scratch_operands = 5 : i64, tpu.core_type = #tpu.core_type<sc_vector_subcore>, window_params = [{transform_indices = #map}, {transform_indices = #map}, {transform_indices = #map}, {transform_indices = #map}, {transform_indices = #map}]} {
    %mul3A = arith.constant 8 : i32
    %mul3A_0 = arith.muli %arg0, %mul3A : i32
    %add3A = arith.addi %mul3A_0, %arg1 : i32
    %lt3A = arith.constant 8 : i32
    %lt3A_1 = arith.cmpi slt, %arg1, %lt3A : i32
    %convert_element_type3A = arith.extui %lt3A_1 : i1 to i32
    %cond3A = arith.constant 0 : i32
    %cond3A_2 = arith.cmpi ne, %convert_element_type3A, %cond3A : i32
    scf.if %cond3A_2 {
      %jit3A = arith.constant 8 : i32
      %div3A = arith.divsi %add3A, %jit3A : i32
      %sign3A = arith.constant 0 : i32
      %sign3A_3 = arith.cmpi sgt, %add3A, %sign3A : i32
      %sign3A_4 = arith.extui %sign3A_3 : i1 to i32
      %sign3A_5 = arith.constant 0 : i32
      %sign3A_6 = arith.cmpi slt, %add3A, %sign3A_5 : i32
      %sign3A_7 = arith.extui %sign3A_6 : i1 to i32
      %sign3A_8 = arith.subi %sign3A_4, %sign3A_7 : i32
      %sign3A_9 = arith.constant 0 : i32
      %sign3A_10 = arith.cmpi sgt, %jit3A, %sign3A_9 : i32
      %sign3A_11 = arith.extui %sign3A_10 : i1 to i32
      %sign3A_12 = arith.constant 0 : i32
      %sign3A_13 = arith.cmpi slt, %jit3A, %sign3A_12 : i32
      %sign3A_14 = arith.extui %sign3A_13 : i1 to i32
      %sign3A_15 = arith.subi %sign3A_11, %sign3A_14 : i32
      %ne3A = arith.cmpi ne, %sign3A_8, %sign3A_15 : i32
      %rem3A = arith.remsi %add3A, %jit3A : i32
      %ne3A_16 = arith.constant 0 : i32
      %ne3A_17 = arith.cmpi ne, %rem3A, %ne3A_16 : i32
      %and3A = arith.andi %ne3A, %ne3A_17 : i1
      %sub3A = arith.constant 1 : i32
      %sub3A_18 = arith.subi %div3A, %sub3A : i32
      %select_n3A = arith.select %and3A, %sub3A_18, %div3A : i32
      "tpu.region"() ({
        %run_scoped3A = tpu.sem_alloc : memref<!tpu.dma_semaphore, #tpu.memory_space<semaphore_mem>>
        %dma_start3A = arith.constant 0 : i32
        %dma_start3A_45 = tpu.memref_slice %arg2[%add3A, %dma_start3A] : memref<16x4096xi32, #tpu.memory_space<hbm>> -> memref<1x4096xi32, #tpu.memory_space<hbm>>
        %dma_start3A_46 = tpu.memref_squeeze %dma_start3A_45 : memref<1x4096xi32, #tpu.memory_space<hbm>> -> memref<4096xi32, #tpu.memory_space<hbm>>
        %dma_start3A_47 = arith.constant 0 : i32
        %dma_start3A_48 = tpu.memref_slice %arg2[%add3A, %dma_start3A_47] : memref<16x4096xi32, #tpu.memory_space<hbm>> -> memref<1x4096xi32, #tpu.memory_space<hbm>>
        %dma_start3A_49 = tpu.memref_squeeze %dma_start3A_48 : memref<1x4096xi32, #tpu.memory_space<hbm>> -> memref<4096xi32, #tpu.memory_space<hbm>>
        tpu.enqueue_dma source(%dma_start3A_49 : memref<4096xi32, #tpu.memory_space<hbm>>) target(%arg7 : memref<4096xi32, #tpu.memory_space<vmem>>) target_semaphore(%run_scoped3A : memref<!tpu.dma_semaphore, #tpu.memory_space<semaphore_mem>>)
        %dma_wait3A = arith.constant 0 : i32
        %dma_wait3A_50 = tpu.memref_slice %arg2[%add3A, %dma_wait3A] : memref<16x4096xi32, #tpu.memory_space<hbm>> -> memref<1x4096xi32, #tpu.memory_space<hbm>>
        %dma_wait3A_51 = tpu.memref_squeeze %dma_wait3A_50 : memref<1x4096xi32, #tpu.memory_space<hbm>> -> memref<4096xi32, #tpu.memory_space<hbm>>
        %dma_wait3A_52 = arith.constant 0 : i32
        %dma_wait3A_53 = tpu.memref_slice %arg2[%add3A, %dma_wait3A_52] : memref<16x4096xi32, #tpu.memory_space<hbm>> -> memref<1x4096xi32, #tpu.memory_space<hbm>>
        %dma_wait3A_54 = tpu.memref_squeeze %dma_wait3A_53 : memref<1x4096xi32, #tpu.memory_space<hbm>> -> memref<4096xi32, #tpu.memory_space<hbm>>
        tpu.wait_dma2 semaphore(%run_scoped3A : memref<!tpu.dma_semaphore, #tpu.memory_space<semaphore_mem>>) src(%dma_wait3A_54 : memref<4096xi32, #tpu.memory_space<hbm>>) dst(%arg7 : memref<4096xi32, #tpu.memory_space<vmem>>)
        tpu.yield
      }) : () -> ()
      "tpu.region"() ({
        %run_scoped3A = tpu.sem_alloc : memref<!tpu.dma_semaphore, #tpu.memory_space<semaphore_mem>>
        %dma_start3A = arith.constant 0 : i32
        %dma_start3A_45 = tpu.memref_slice %arg3[%select_n3A, %dma_start3A] : memref<2x16448xf32, #tpu.memory_space<hbm>> -> memref<1x16448xf32, #tpu.memory_space<hbm>>
        %dma_start3A_46 = tpu.memref_squeeze %dma_start3A_45 : memref<1x16448xf32, #tpu.memory_space<hbm>> -> memref<16448xf32, #tpu.memory_space<hbm>>
        %dma_start3A_47 = arith.constant 0 : i32
        %dma_start3A_48 = tpu.memref_slice %arg3[%select_n3A, %dma_start3A_47] : memref<2x16448xf32, #tpu.memory_space<hbm>> -> memref<1x16448xf32, #tpu.memory_space<hbm>>
        %dma_start3A_49 = tpu.memref_squeeze %dma_start3A_48 : memref<1x16448xf32, #tpu.memory_space<hbm>> -> memref<16448xf32, #tpu.memory_space<hbm>>
        tpu.enqueue_dma source(%dma_start3A_49 : memref<16448xf32, #tpu.memory_space<hbm>>) target(%arg8 : memref<16448xf32, #tpu.memory_space<vmem>>) target_semaphore(%run_scoped3A : memref<!tpu.dma_semaphore, #tpu.memory_space<semaphore_mem>>)
        %dma_wait3A = arith.constant 0 : i32
        %dma_wait3A_50 = tpu.memref_slice %arg3[%select_n3A, %dma_wait3A] : memref<2x16448xf32, #tpu.memory_space<hbm>> -> memref<1x16448xf32, #tpu.memory_space<hbm>>
        %dma_wait3A_51 = tpu.memref_squeeze %dma_wait3A_50 : memref<1x16448xf32, #tpu.memory_space<hbm>> -> memref<16448xf32, #tpu.memory_space<hbm>>
        %dma_wait3A_52 = arith.constant 0 : i32
        %dma_wait3A_53 = tpu.memref_slice %arg3[%select_n3A, %dma_wait3A_52] : memref<2x16448xf32, #tpu.memory_space<hbm>> -> memref<1x16448xf32, #tpu.memory_space<hbm>>
        %dma_wait3A_54 = tpu.memref_squeeze %dma_wait3A_53 : memref<1x16448xf32, #tpu.memory_space<hbm>> -> memref<16448xf32, #tpu.memory_space<hbm>>
        tpu.wait_dma2 semaphore(%run_scoped3A : memref<!tpu.dma_semaphore, #tpu.memory_space<semaphore_mem>>) src(%dma_wait3A_54 : memref<16448xf32, #tpu.memory_space<hbm>>) dst(%arg8 : memref<16448xf32, #tpu.memory_space<vmem>>)
        tpu.yield
      }) : () -> ()
      %broadcast_in_dim3A = arith.constant 4096 : i32
      %broadcast_in_dim3A_19 = vector.broadcast %broadcast_in_dim3A : i32 to vector<16xi32>
      %scan3A = arith.constant 0 : i32
      %scan3A_20 = arith.constant 0 : i32
      %scan3A_21 = arith.constant 257 : i32
      %scan3A_22 = arith.addi %scan3A_20, %scan3A_21 : i32
      %scan3A_23 = arith.constant 1 : i32
      scf.for %scan3A_45 = %scan3A_20 to %scan3A_22 step %scan3A_23  : i32 {
        %mul3A_46 = arith.constant 16 : i32
        %mul3A_47 = arith.muli %scan3A_45, %mul3A_46 : i32
        %swap3A_48 = arith.index_cast %mul3A_47 : i32 to index
        %swap3A_49 = tpu.vector_load %arg9[%swap3A_48] {strides = array<i32>} : memref<4112xi32, #tpu.memory_space<vmem>>, vector<16xi32>,
        tpu.vector_store %arg9[%swap3A_48], %broadcast_in_dim3A_19 {strides = array<i32>} : memref<4112xi32, #tpu.memory_space<vmem>>, vector<16xi32>,
      }
      %scan3A_24 = arith.constant 257 : i32
      %scan3A_25 = arith.constant 0 : i32
      %scan3A_26 = arith.constant 0 : i32
      %scan3A_27 = arith.constant 256 : i32
      %scan3A_28 = arith.addi %scan3A_26, %scan3A_27 : i32
      %scan3A_29 = arith.constant 1 : i32
      %scan3A_30 = scf.for %scan3A_45 = %scan3A_26 to %scan3A_28 step %scan3A_29 iter_args(%scan3A_46 = %scan3A_25) -> (i32)  : i32 {
        %mul3A_47 = arith.constant 16 : i32
        %mul3A_48 = arith.muli %scan3A_45, %mul3A_47 : i32
        %get3A = arith.index_cast %mul3A_48 : i32 to index
        %get3A_49 = tpu.vector_load %arg7[%get3A] {strides = array<i32>} : memref<4096xi32, #tpu.memory_space<vmem>>, vector<16xi32>,
        %iota3A = tpu.iota {dimensions = array<i32: 0>} : vector<16xi32>
        %mul3A_50 = arith.constant 16 : i32
        %mul3A_51 = arith.muli %scan3A_45, %mul3A_50 : i32
        %add3A_52 = vector.broadcast %mul3A_51 : i32 to vector<16xi32>
        %add3A_53 = arith.addi %iota3A, %add3A_52 : vector<16xi32>
        %broadcast_in_dim3A_54 = arith.constant true
        %broadcast_in_dim3A_55 = vector.broadcast %broadcast_in_dim3A_54 : i1 to vector<16xi1>
        %masked_cumsum3A = tpu.scan <sum>, %get3A_49 masked %broadcast_in_dim3A_55 : vector<16xi32>, vector<16xi1> -> vector<16xi32>
        %add3A_56 = vector.broadcast %scan3A_46 : i32 to vector<16xi32>
        %add3A_57 = arith.addi %add3A_56, %masked_cumsum3A : vector<16xi32>
        %sub3A_58 = arith.subi %add3A_57, %get3A_49 : vector<16xi32>
        %gt3A = arith.constant 0 : i32
        %gt3A_59 = vector.broadcast %gt3A : i32 to vector<16xi32>
        %gt3A_60 = arith.cmpi sgt, %get3A_49, %gt3A_59 : vector<16xi32>
        tpu.vector_store_idx %arg9[%sub3A_58], %add3A_53 masked %gt3A_60 : memref<4112xi32, #tpu.memory_space<vmem>>[vector<16xi32>], vector<16xi32>, vector<16xi1>
        %reduce_sum3A = arith.constant true
        %reduce_sum3A_61 = vector.broadcast %reduce_sum3A : i1 to vector<16xi1>
        %reduce_sum3A_62 = tpu.scan <sum>, %get3A_49 masked %reduce_sum3A_61 : vector<16xi32>, vector<16xi1> -> vector<16xi32>
        %reduce_sum3A_63 = vector.extract %reduce_sum3A_62[15] : i32 from vector<16xi32>
        %add3A_64 = arith.addi %scan3A_46, %reduce_sum3A_63 : i32
        scf.yield %add3A_64 : i32
      }
      %scan3A_31 = arith.constant 256 : i32
      %broadcast_in_dim3A_32 = arith.constant 0 : i32
      %broadcast_in_dim3A_33 = vector.broadcast %broadcast_in_dim3A_32 : i32 to vector<16xi32>
      %add3A_34 = vector.broadcast %scan3A_30 : i32 to vector<16xi32>
      %add3A_35 = arith.addi %broadcast_in_dim3A_33, %add3A_34 : vector<16xi32>
      %swap3A = arith.constant 0 : index
      %swap3A_36 = tpu.vector_load %arg11[%swap3A] {strides = array<i32>} : memref<16xi32, #tpu.memory_space<vmem>>, vector<16xi32>,
      tpu.vector_store %arg11[%swap3A], %add3A_35 {strides = array<i32>} : memref<16xi32, #tpu.memory_space<vmem>>, vector<16xi32>,
      "tpu.region"() ({
        %run_scoped3A = tpu.sem_alloc : memref<!tpu.dma_semaphore, #tpu.memory_space<semaphore_mem>>
        %dma_start3A = arith.constant 0 : i32
        %dma_start3A_45 = tpu.memref_slice %arg6[%add3A, %dma_start3A] : memref<16x16xi32, #tpu.memory_space<hbm>> -> memref<1x16xi32, #tpu.memory_space<hbm>>
        %dma_start3A_46 = tpu.memref_squeeze %dma_start3A_45 : memref<1x16xi32, #tpu.memory_space<hbm>> -> memref<16xi32, #tpu.memory_space<hbm>>
        %dma_start3A_47 = arith.constant 0 : i32
        %dma_start3A_48 = tpu.memref_slice %arg6[%add3A, %dma_start3A_47] : memref<16x16xi32, #tpu.memory_space<hbm>> -> memref<1x16xi32, #tpu.memory_space<hbm>>
        %dma_start3A_49 = tpu.memref_squeeze %dma_start3A_48 : memref<1x16xi32, #tpu.memory_space<hbm>> -> memref<16xi32, #tpu.memory_space<hbm>>
        tpu.enqueue_dma source(%arg11 : memref<16xi32, #tpu.memory_space<vmem>>) target(%dma_start3A_49 : memref<16xi32, #tpu.memory_space<hbm>>) target_semaphore(%run_scoped3A : memref<!tpu.dma_semaphore, #tpu.memory_space<semaphore_mem>>)
        %dma_wait3A = arith.constant 0 : i32
        %dma_wait3A_50 = tpu.memref_slice %arg6[%add3A, %dma_wait3A] : memref<16x16xi32, #tpu.memory_space<hbm>> -> memref<1x16xi32, #tpu.memory_space<hbm>>
        %dma_wait3A_51 = tpu.memref_squeeze %dma_wait3A_50 : memref<1x16xi32, #tpu.memory_space<hbm>> -> memref<16xi32, #tpu.memory_space<hbm>>
        %dma_wait3A_52 = arith.constant 0 : i32
        %dma_wait3A_53 = tpu.memref_slice %arg6[%add3A, %dma_wait3A_52] : memref<16x16xi32, #tpu.memory_space<hbm>> -> memref<1x16xi32, #tpu.memory_space<hbm>>
        %dma_wait3A_54 = tpu.memref_squeeze %dma_wait3A_53 : memref<1x16xi32, #tpu.memory_space<hbm>> -> memref<16xi32, #tpu.memory_space<hbm>>
        tpu.wait_dma2 semaphore(%run_scoped3A : memref<!tpu.dma_semaphore, #tpu.memory_space<semaphore_mem>>) src(%arg11 : memref<16xi32, #tpu.memory_space<vmem>>) dst(%dma_wait3A_54 : memref<16xi32, #tpu.memory_space<hbm>>)
        tpu.yield
      }) : () -> ()
      %broadcast_in_dim3A_37 = arith.constant 1.000000e+00 : f32
      %broadcast_in_dim3A_38 = vector.broadcast %broadcast_in_dim3A_37 : f32 to vector<16xf32>
      %scan3A_39 = arith.constant 0 : i32
      %scan3A_40 = arith.constant 0 : i32
      %scan3A_41 = arith.constant 256 : i32
      %scan3A_42 = arith.addi %scan3A_40, %scan3A_41 : i32
      %scan3A_43 = arith.constant 1 : i32
      scf.for %scan3A_45 = %scan3A_40 to %scan3A_42 step %scan3A_43  : i32 {
        %mul3A_46 = arith.constant 16 : i32
        %mul3A_47 = arith.muli %scan3A_45, %mul3A_46 : i32
        %get3A = arith.index_cast %mul3A_47 : i32 to index
        %get3A_48 = tpu.vector_load %arg9[%get3A] {strides = array<i32>} : memref<4112xi32, #tpu.memory_space<vmem>>, vector<16xi32>,
        %mul3A_49 = arith.constant 4 : i32
        %mul3A_50 = vector.broadcast %mul3A_49 : i32 to vector<16xi32>
        %mul3A_51 = arith.muli %get3A_48, %mul3A_50 : vector<16xi32>
        %iota3A = tpu.iota {dimensions = array<i32: 0>} : vector<16xi32>
        %mul3A_52 = arith.constant 16 : i32
        %mul3A_53 = arith.muli %scan3A_45, %mul3A_52 : i32
        %add3A_54 = vector.broadcast %mul3A_53 : i32 to vector<16xi32>
        %add3A_55 = arith.addi %iota3A, %add3A_54 : vector<16xi32>
        %mul3A_56 = arith.constant 4 : i32
        %mul3A_57 = vector.broadcast %mul3A_56 : i32 to vector<16xi32>
        %mul3A_58 = arith.muli %add3A_55, %mul3A_57 : vector<16xi32>
        %add3A_59 = arith.constant 0 : i32
        %add3A_60 = vector.broadcast %add3A_59 : i32 to vector<16xi32>
        %add3A_61 = arith.addi %mul3A_51, %add3A_60 : vector<16xi32>
        %gather3A = tpu.vector_load_idx %arg8[%add3A_61] : memref<16448xf32, #tpu.memory_space<vmem>>[vector<16xi32>], vector<16xf32>,
        %add3A_62 = arith.constant 0 : i32
        %add3A_63 = vector.broadcast %add3A_62 : i32 to vector<16xi32>
        %add3A_64 = arith.addi %mul3A_58, %add3A_63 : vector<16xi32>
        tpu.vector_store_idx %arg10[%add3A_64], %gather3A : memref<16384xf32, #tpu.memory_space<vmem>>[vector<16xi32>], vector<16xf32>,
        %add3A_65 = arith.constant 1 : i32
        %add3A_66 = vector.broadcast %add3A_65 : i32 to vector<16xi32>
        %add3A_67 = arith.addi %mul3A_51, %add3A_66 : vector<16xi32>
        %gather3A_68 = tpu.vector_load_idx %arg8[%add3A_67] : memref<16448xf32, #tpu.memory_space<vmem>>[vector<16xi32>], vector<16xf32>,
        %add3A_69 = arith.constant 1 : i32
        %add3A_70 = vector.broadcast %add3A_69 : i32 to vector<16xi32>
        %add3A_71 = arith.addi %mul3A_58, %add3A_70 : vector<16xi32>
        tpu.vector_store_idx %arg10[%add3A_71], %gather3A_68 : memref<16384xf32, #tpu.memory_space<vmem>>[vector<16xi32>], vector<16xf32>,
        %add3A_72 = arith.constant 2 : i32
        %add3A_73 = vector.broadcast %add3A_72 : i32 to vector<16xi32>
        %add3A_74 = arith.addi %mul3A_51, %add3A_73 : vector<16xi32>
        %gather3A_75 = tpu.vector_load_idx %arg8[%add3A_74] : memref<16448xf32, #tpu.memory_space<vmem>>[vector<16xi32>], vector<16xf32>,
        %add3A_76 = arith.constant 2 : i32
        %add3A_77 = vector.broadcast %add3A_76 : i32 to vector<16xi32>
        %add3A_78 = arith.addi %mul3A_58, %add3A_77 : vector<16xi32>
        tpu.vector_store_idx %arg10[%add3A_78], %gather3A_75 : memref<16384xf32, #tpu.memory_space<vmem>>[vector<16xi32>], vector<16xf32>,
        %add3A_79 = arith.constant 3 : i32
        %add3A_80 = vector.broadcast %add3A_79 : i32 to vector<16xi32>
        %add3A_81 = arith.addi %mul3A_58, %add3A_80 : vector<16xi32>
        tpu.vector_store_idx %arg10[%add3A_81], %broadcast_in_dim3A_38 : memref<16384xf32, #tpu.memory_space<vmem>>[vector<16xi32>], vector<16xf32>,
      }
      %scan3A_44 = arith.constant 256 : i32
      "tpu.region"() ({
        %run_scoped3A = tpu.sem_alloc : memref<!tpu.dma_semaphore, #tpu.memory_space<semaphore_mem>>
        %dma_start3A = arith.constant 0 : i32
        %dma_start3A_45 = tpu.memref_slice %arg9[%dma_start3A] : memref<4112xi32, #tpu.memory_space<vmem>> -> memref<4096xi32, #tpu.memory_space<vmem>>
        %dma_start3A_46 = arith.constant 0 : i32
        %dma_start3A_47 = tpu.memref_slice %arg4[%add3A, %dma_start3A_46] : memref<16x4096xi32, #tpu.memory_space<hbm>> -> memref<1x4096xi32, #tpu.memory_space<hbm>>
        %dma_start3A_48 = tpu.memref_squeeze %dma_start3A_47 : memref<1x4096xi32, #tpu.memory_space<hbm>> -> memref<4096xi32, #tpu.memory_space<hbm>>
        %dma_start3A_49 = arith.constant 0 : i32
        %dma_start3A_50 = tpu.memref_slice %arg4[%add3A, %dma_start3A_49] : memref<16x4096xi32, #tpu.memory_space<hbm>> -> memref<1x4096xi32, #tpu.memory_space<hbm>>
        %dma_start3A_51 = tpu.memref_squeeze %dma_start3A_50 : memref<1x4096xi32, #tpu.memory_space<hbm>> -> memref<4096xi32, #tpu.memory_space<hbm>>
        %dma_start3A_52 = arith.constant 0 : i32
        %dma_start3A_53 = tpu.memref_slice %arg9[%dma_start3A_52] : memref<4112xi32, #tpu.memory_space<vmem>> -> memref<4096xi32, #tpu.memory_space<vmem>>
        tpu.enqueue_dma source(%dma_start3A_53 : memref<4096xi32, #tpu.memory_space<vmem>>) target(%dma_start3A_51 : memref<4096xi32, #tpu.memory_space<hbm>>) target_semaphore(%run_scoped3A : memref<!tpu.dma_semaphore, #tpu.memory_space<semaphore_mem>>)
        %dma_wait3A = arith.constant 0 : i32
        %dma_wait3A_54 = tpu.memref_slice %arg9[%dma_wait3A] : memref<4112xi32, #tpu.memory_space<vmem>> -> memref<4096xi32, #tpu.memory_space<vmem>>
        %dma_wait3A_55 = arith.constant 0 : i32
        %dma_wait3A_56 = tpu.memref_slice %arg4[%add3A, %dma_wait3A_55] : memref<16x4096xi32, #tpu.memory_space<hbm>> -> memref<1x4096xi32, #tpu.memory_space<hbm>>
        %dma_wait3A_57 = tpu.memref_squeeze %dma_wait3A_56 : memref<1x4096xi32, #tpu.memory_space<hbm>> -> memref<4096xi32, #tpu.memory_space<hbm>>
        %dma_wait3A_58 = arith.constant 0 : i32
        %dma_wait3A_59 = tpu.memref_slice %arg4[%add3A, %dma_wait3A_58] : memref<16x4096xi32, #tpu.memory_space<hbm>> -> memref<1x4096xi32, #tpu.memory_space<hbm>>
        %dma_wait3A_60 = tpu.memref_squeeze %dma_wait3A_59 : memref<1x4096xi32, #tpu.memory_space<hbm>> -> memref<4096xi32, #tpu.memory_space<hbm>>
        %dma_wait3A_61 = arith.constant 0 : i32
        %dma_wait3A_62 = tpu.memref_slice %arg9[%dma_wait3A_61] : memref<4112xi32, #tpu.memory_space<vmem>> -> memref<4096xi32, #tpu.memory_space<vmem>>
        tpu.wait_dma2 semaphore(%run_scoped3A : memref<!tpu.dma_semaphore, #tpu.memory_space<semaphore_mem>>) src(%dma_wait3A_62 : memref<4096xi32, #tpu.memory_space<vmem>>) dst(%dma_wait3A_60 : memref<4096xi32, #tpu.memory_space<hbm>>)
        tpu.yield
      }) : () -> ()
      "tpu.region"() ({
        %run_scoped3A = tpu.sem_alloc : memref<!tpu.dma_semaphore, #tpu.memory_space<semaphore_mem>>
        %dma_start3A = arith.constant 0 : i32
        %dma_start3A_45 = tpu.memref_slice %arg5[%add3A, %dma_start3A] : memref<16x16384xf32, #tpu.memory_space<hbm>> -> memref<1x16384xf32, #tpu.memory_space<hbm>>
        %dma_start3A_46 = tpu.memref_squeeze %dma_start3A_45 : memref<1x16384xf32, #tpu.memory_space<hbm>> -> memref<16384xf32, #tpu.memory_space<hbm>>
        %dma_start3A_47 = arith.constant 0 : i32
        %dma_start3A_48 = tpu.memref_slice %arg5[%add3A, %dma_start3A_47] : memref<16x16384xf32, #tpu.memory_space<hbm>> -> memref<1x16384xf32, #tpu.memory_space<hbm>>
        %dma_start3A_49 = tpu.memref_squeeze %dma_start3A_48 : memref<1x16384xf32, #tpu.memory_space<hbm>> -> memref<16384xf32, #tpu.memory_space<hbm>>
        tpu.enqueue_dma source(%arg10 : memref<16384xf32, #tpu.memory_space<vmem>>) target(%dma_start3A_49 : memref<16384xf32, #tpu.memory_space<hbm>>) target_semaphore(%run_scoped3A : memref<!tpu.dma_semaphore, #tpu.memory_space<semaphore_mem>>)
        %dma_wait3A = arith.constant 0 : i32
        %dma_wait3A_50 = tpu.memref_slice %arg5[%add3A, %dma_wait3A] : memref<16x16384xf32, #tpu.memory_space<hbm>> -> memref<1x16384xf32, #tpu.memory_space<hbm>>
        %dma_wait3A_51 = tpu.memref_squeeze %dma_wait3A_50 : memref<1x16384xf32, #tpu.memory_space<hbm>> -> memref<16384xf32, #tpu.memory_space<hbm>>
        %dma_wait3A_52 = arith.constant 0 : i32
        %dma_wait3A_53 = tpu.memref_slice %arg5[%add3A, %dma_wait3A_52] : memref<16x16384xf32, #tpu.memory_space<hbm>> -> memref<1x16384xf32, #tpu.memory_space<hbm>>
        %dma_wait3A_54 = tpu.memref_squeeze %dma_wait3A_53 : memref<1x16384xf32, #tpu.memory_space<hbm>> -> memref<16384xf32, #tpu.memory_space<hbm>>
        tpu.wait_dma2 semaphore(%run_scoped3A : memref<!tpu.dma_semaphore, #tpu.memory_space<semaphore_mem>>) src(%arg10 : memref<16384xf32, #tpu.memory_space<vmem>>) dst(%dma_wait3A_54 : memref<16384xf32, #tpu.memory_space<hbm>>)
        tpu.yield
      }) : () -> ()
    } else {
    }
    return
  }
}

#map = affine_map<(d0, d1) -> (0, 0)>
module attributes {stable_mosaic.version = 14 : i64} {
  func.func @_sc_scatter_body(%arg0: i32, %arg1: i32, %arg2: memref<16x4096xf32, #tpu.memory_space<hbm>>, %arg3: memref<16x4096xi32, #tpu.memory_space<hbm>>, %arg4: memref<16x4096xf32, #tpu.memory_space<hbm>>, %arg5: memref<4096xf32, #tpu.memory_space<vmem>>, %arg6: memref<4096xi32, #tpu.memory_space<vmem>>, %arg7: memref<4112xf32, #tpu.memory_space<vmem>>) attributes {dimension_semantics = [#tpu.dimension_semantics<core_parallel>, #tpu.dimension_semantics<subcore_parallel>], iteration_bounds = array<i64: 2, 16>, scalar_prefetch = 0 : i64, scratch_operands = 3 : i64, tpu.core_type = #tpu.core_type<sc_vector_subcore>, window_params = [{transform_indices = #map}, {transform_indices = #map}, {transform_indices = #map}]} {
    %mul3A = arith.constant 8 : i32
    %mul3A_0 = arith.muli %arg0, %mul3A : i32
    %add3A = arith.addi %mul3A_0, %arg1 : i32
    %lt3A = arith.constant 8 : i32
    %lt3A_1 = arith.cmpi slt, %arg1, %lt3A : i32
    %convert_element_type3A = arith.extui %lt3A_1 : i1 to i32
    %cond3A = arith.constant 0 : i32
    %cond3A_2 = arith.cmpi ne, %convert_element_type3A, %cond3A : i32
    scf.if %cond3A_2 {
      "tpu.region"() ({
        %run_scoped3A = tpu.sem_alloc : memref<!tpu.dma_semaphore, #tpu.memory_space<semaphore_mem>>
        %dma_start3A = arith.constant 0 : i32
        %dma_start3A_15 = tpu.memref_slice %arg2[%add3A, %dma_start3A] : memref<16x4096xf32, #tpu.memory_space<hbm>> -> memref<1x4096xf32, #tpu.memory_space<hbm>>
        %dma_start3A_16 = tpu.memref_squeeze %dma_start3A_15 : memref<1x4096xf32, #tpu.memory_space<hbm>> -> memref<4096xf32, #tpu.memory_space<hbm>>
        %dma_start3A_17 = arith.constant 0 : i32
        %dma_start3A_18 = tpu.memref_slice %arg2[%add3A, %dma_start3A_17] : memref<16x4096xf32, #tpu.memory_space<hbm>> -> memref<1x4096xf32, #tpu.memory_space<hbm>>
        %dma_start3A_19 = tpu.memref_squeeze %dma_start3A_18 : memref<1x4096xf32, #tpu.memory_space<hbm>> -> memref<4096xf32, #tpu.memory_space<hbm>>
        tpu.enqueue_dma source(%dma_start3A_19 : memref<4096xf32, #tpu.memory_space<hbm>>) target(%arg5 : memref<4096xf32, #tpu.memory_space<vmem>>) target_semaphore(%run_scoped3A : memref<!tpu.dma_semaphore, #tpu.memory_space<semaphore_mem>>)
        %dma_wait3A = arith.constant 0 : i32
        %dma_wait3A_20 = tpu.memref_slice %arg2[%add3A, %dma_wait3A] : memref<16x4096xf32, #tpu.memory_space<hbm>> -> memref<1x4096xf32, #tpu.memory_space<hbm>>
        %dma_wait3A_21 = tpu.memref_squeeze %dma_wait3A_20 : memref<1x4096xf32, #tpu.memory_space<hbm>> -> memref<4096xf32, #tpu.memory_space<hbm>>
        %dma_wait3A_22 = arith.constant 0 : i32
        %dma_wait3A_23 = tpu.memref_slice %arg2[%add3A, %dma_wait3A_22] : memref<16x4096xf32, #tpu.memory_space<hbm>> -> memref<1x4096xf32, #tpu.memory_space<hbm>>
        %dma_wait3A_24 = tpu.memref_squeeze %dma_wait3A_23 : memref<1x4096xf32, #tpu.memory_space<hbm>> -> memref<4096xf32, #tpu.memory_space<hbm>>
        tpu.wait_dma2 semaphore(%run_scoped3A : memref<!tpu.dma_semaphore, #tpu.memory_space<semaphore_mem>>) src(%dma_wait3A_24 : memref<4096xf32, #tpu.memory_space<hbm>>) dst(%arg5 : memref<4096xf32, #tpu.memory_space<vmem>>)
        tpu.yield
      }) : () -> ()
      "tpu.region"() ({
        %run_scoped3A = tpu.sem_alloc : memref<!tpu.dma_semaphore, #tpu.memory_space<semaphore_mem>>
        %dma_start3A = arith.constant 0 : i32
        %dma_start3A_15 = tpu.memref_slice %arg3[%add3A, %dma_start3A] : memref<16x4096xi32, #tpu.memory_space<hbm>> -> memref<1x4096xi32, #tpu.memory_space<hbm>>
        %dma_start3A_16 = tpu.memref_squeeze %dma_start3A_15 : memref<1x4096xi32, #tpu.memory_space<hbm>> -> memref<4096xi32, #tpu.memory_space<hbm>>
        %dma_start3A_17 = arith.constant 0 : i32
        %dma_start3A_18 = tpu.memref_slice %arg3[%add3A, %dma_start3A_17] : memref<16x4096xi32, #tpu.memory_space<hbm>> -> memref<1x4096xi32, #tpu.memory_space<hbm>>
        %dma_start3A_19 = tpu.memref_squeeze %dma_start3A_18 : memref<1x4096xi32, #tpu.memory_space<hbm>> -> memref<4096xi32, #tpu.memory_space<hbm>>
        tpu.enqueue_dma source(%dma_start3A_19 : memref<4096xi32, #tpu.memory_space<hbm>>) target(%arg6 : memref<4096xi32, #tpu.memory_space<vmem>>) target_semaphore(%run_scoped3A : memref<!tpu.dma_semaphore, #tpu.memory_space<semaphore_mem>>)
        %dma_wait3A = arith.constant 0 : i32
        %dma_wait3A_20 = tpu.memref_slice %arg3[%add3A, %dma_wait3A] : memref<16x4096xi32, #tpu.memory_space<hbm>> -> memref<1x4096xi32, #tpu.memory_space<hbm>>
        %dma_wait3A_21 = tpu.memref_squeeze %dma_wait3A_20 : memref<1x4096xi32, #tpu.memory_space<hbm>> -> memref<4096xi32, #tpu.memory_space<hbm>>
        %dma_wait3A_22 = arith.constant 0 : i32
        %dma_wait3A_23 = tpu.memref_slice %arg3[%add3A, %dma_wait3A_22] : memref<16x4096xi32, #tpu.memory_space<hbm>> -> memref<1x4096xi32, #tpu.memory_space<hbm>>
        %dma_wait3A_24 = tpu.memref_squeeze %dma_wait3A_23 : memref<1x4096xi32, #tpu.memory_space<hbm>> -> memref<4096xi32, #tpu.memory_space<hbm>>
        tpu.wait_dma2 semaphore(%run_scoped3A : memref<!tpu.dma_semaphore, #tpu.memory_space<semaphore_mem>>) src(%dma_wait3A_24 : memref<4096xi32, #tpu.memory_space<hbm>>) dst(%arg6 : memref<4096xi32, #tpu.memory_space<vmem>>)
        tpu.yield
      }) : () -> ()
      %broadcast_in_dim3A = arith.constant 0.000000e+00 : f32
      %broadcast_in_dim3A_3 = vector.broadcast %broadcast_in_dim3A : f32 to vector<16xf32>
      %scan3A = arith.constant 0 : i32
      %scan3A_4 = arith.constant 0 : i32
      %scan3A_5 = arith.constant 257 : i32
      %scan3A_6 = arith.addi %scan3A_4, %scan3A_5 : i32
      %scan3A_7 = arith.constant 1 : i32
      scf.for %scan3A_15 = %scan3A_4 to %scan3A_6 step %scan3A_7  : i32 {
        %mul3A_16 = arith.constant 16 : i32
        %mul3A_17 = arith.muli %scan3A_15, %mul3A_16 : i32
        %swap3A = arith.index_cast %mul3A_17 : i32 to index
        %swap3A_18 = tpu.vector_load %arg7[%swap3A] {strides = array<i32>} : memref<4112xf32, #tpu.memory_space<vmem>>, vector<16xf32>,
        tpu.vector_store %arg7[%swap3A], %broadcast_in_dim3A_3 {strides = array<i32>} : memref<4112xf32, #tpu.memory_space<vmem>>, vector<16xf32>,
      }
      %scan3A_8 = arith.constant 257 : i32
      %scan3A_9 = arith.constant 0 : i32
      %scan3A_10 = arith.constant 0 : i32
      %scan3A_11 = arith.constant 256 : i32
      %scan3A_12 = arith.addi %scan3A_10, %scan3A_11 : i32
      %scan3A_13 = arith.constant 1 : i32
      scf.for %scan3A_15 = %scan3A_10 to %scan3A_12 step %scan3A_13  : i32 {
        %mul3A_16 = arith.constant 16 : i32
        %mul3A_17 = arith.muli %scan3A_15, %mul3A_16 : i32
        %get3A = arith.index_cast %mul3A_17 : i32 to index
        %get3A_18 = tpu.vector_load %arg6[%get3A] {strides = array<i32>} : memref<4096xi32, #tpu.memory_space<vmem>>, vector<16xi32>,
        %mul3A_19 = arith.constant 16 : i32
        %mul3A_20 = arith.muli %scan3A_15, %mul3A_19 : i32
        %get3A_21 = arith.index_cast %mul3A_20 : i32 to index
        %get3A_22 = tpu.vector_load %arg5[%get3A_21] {strides = array<i32>} : memref<4096xf32, #tpu.memory_space<vmem>>, vector<16xf32>,
        tpu.vector_store_idx %arg7[%get3A_18], %get3A_22 : memref<4112xf32, #tpu.memory_space<vmem>>[vector<16xi32>], vector<16xf32>,
      }
      %scan3A_14 = arith.constant 256 : i32
      "tpu.region"() ({
        %run_scoped3A = tpu.sem_alloc : memref<!tpu.dma_semaphore, #tpu.memory_space<semaphore_mem>>
        %dma_start3A = arith.constant 0 : i32
        %dma_start3A_15 = tpu.memref_slice %arg7[%dma_start3A] : memref<4112xf32, #tpu.memory_space<vmem>> -> memref<4096xf32, #tpu.memory_space<vmem>>
        %dma_start3A_16 = arith.constant 0 : i32
        %dma_start3A_17 = tpu.memref_slice %arg4[%add3A, %dma_start3A_16] : memref<16x4096xf32, #tpu.memory_space<hbm>> -> memref<1x4096xf32, #tpu.memory_space<hbm>>
        %dma_start3A_18 = tpu.memref_squeeze %dma_start3A_17 : memref<1x4096xf32, #tpu.memory_space<hbm>> -> memref<4096xf32, #tpu.memory_space<hbm>>
        %dma_start3A_19 = arith.constant 0 : i32
        %dma_start3A_20 = tpu.memref_slice %arg4[%add3A, %dma_start3A_19] : memref<16x4096xf32, #tpu.memory_space<hbm>> -> memref<1x4096xf32, #tpu.memory_space<hbm>>
        %dma_start3A_21 = tpu.memref_squeeze %dma_start3A_20 : memref<1x4096xf32, #tpu.memory_space<hbm>> -> memref<4096xf32, #tpu.memory_space<hbm>>
        %dma_start3A_22 = arith.constant 0 : i32
        %dma_start3A_23 = tpu.memref_slice %arg7[%dma_start3A_22] : memref<4112xf32, #tpu.memory_space<vmem>> -> memref<4096xf32, #tpu.memory_space<vmem>>
        tpu.enqueue_dma source(%dma_start3A_23 : memref<4096xf32, #tpu.memory_space<vmem>>) target(%dma_start3A_21 : memref<4096xf32, #tpu.memory_space<hbm>>) target_semaphore(%run_scoped3A : memref<!tpu.dma_semaphore, #tpu.memory_space<semaphore_mem>>)
        %dma_wait3A = arith.constant 0 : i32
        %dma_wait3A_24 = tpu.memref_slice %arg7[%dma_wait3A] : memref<4112xf32, #tpu.memory_space<vmem>> -> memref<4096xf32, #tpu.memory_space<vmem>>
        %dma_wait3A_25 = arith.constant 0 : i32
        %dma_wait3A_26 = tpu.memref_slice %arg4[%add3A, %dma_wait3A_25] : memref<16x4096xf32, #tpu.memory_space<hbm>> -> memref<1x4096xf32, #tpu.memory_space<hbm>>
        %dma_wait3A_27 = tpu.memref_squeeze %dma_wait3A_26 : memref<1x4096xf32, #tpu.memory_space<hbm>> -> memref<4096xf32, #tpu.memory_space<hbm>>
        %dma_wait3A_28 = arith.constant 0 : i32
        %dma_wait3A_29 = tpu.memref_slice %arg4[%add3A, %dma_wait3A_28] : memref<16x4096xf32, #tpu.memory_space<hbm>> -> memref<1x4096xf32, #tpu.memory_space<hbm>>
        %dma_wait3A_30 = tpu.memref_squeeze %dma_wait3A_29 : memref<1x4096xf32, #tpu.memory_space<hbm>> -> memref<4096xf32, #tpu.memory_space<hbm>>
        %dma_wait3A_31 = arith.constant 0 : i32
        %dma_wait3A_32 = tpu.memref_slice %arg7[%dma_wait3A_31] : memref<4112xf32, #tpu.memory_space<vmem>> -> memref<4096xf32, #tpu.memory_space<vmem>>
        tpu.wait_dma2 semaphore(%run_scoped3A : memref<!tpu.dma_semaphore, #tpu.memory_space<semaphore_mem>>) src(%dma_wait3A_32 : memref<4096xf32, #tpu.memory_space<vmem>>) dst(%dma_wait3A_30 : memref<4096xf32, #tpu.memory_space<hbm>>)
        tpu.yield
      }) : () -> ()
    } else {
    }
    return
  }
}

module attributes {stable_mosaic.version = 14 : i64} {
  func.func @_prep1_body(%arg0: memref<16x4xf32, #tpu.memory_space<vmem>>, %arg1: memref<16x3xf32, #tpu.memory_space<vmem>>, %arg2: memref<16x12xf32, #tpu.memory_space<vmem>>) attributes {dimension_semantics = [], scalar_prefetch = 0 : i64, scratch_operands = 0 : i64, tpu.core_type = #tpu.core_type<tc>} {
    %get3A = arith.constant 0 : index
    %get3A_0 = arith.constant 0 : index
    %get3A_1 = vector.load %arg0[%get3A, %get3A_0] : memref<16x4xf32, #tpu.memory_space<vmem>>, vector<16x4xf32>
    %mul3A = arith.mulf %get3A_1, %get3A_1 : vector<16x4xf32>
    %reduce_sum3A = arith.constant dense<0.000000e+00> : vector<16xf32>
    %reduce_sum3A_2 = vector.multi_reduction <add>, %mul3A, %reduce_sum3A [1] : vector<16x4xf32> to vector<16xf32>
    %broadcast_in_dim3A = vector.shape_cast %reduce_sum3A_2 : vector<16xf32> to vector<16x1xf32>
    %sqrt3A = math.sqrt %broadcast_in_dim3A : vector<16x1xf32>
    %max3A = arith.constant 9.99999993E-9 : f32
    %max3A_3 = vector.broadcast %max3A : f32 to vector<16x1xf32>
    %max3A_4 = arith.maximumf %sqrt3A, %max3A_3 : vector<16x1xf32>
    %div3A = vector.broadcast %max3A_4 : vector<16x1xf32> to vector<16x4xf32>
    %div3A_5 = arith.divf %get3A_1, %div3A : vector<16x4xf32>
    %slice3A = vector.extract_strided_slice %div3A_5 {offsets = [0, 0], sizes = [16, 1], strides = [1, 1]} : vector<16x4xf32> to vector<16x1xf32>
    %slice3A_6 = vector.extract_strided_slice %div3A_5 {offsets = [0, 1], sizes = [16, 1], strides = [1, 1]} : vector<16x4xf32> to vector<16x1xf32>
    %slice3A_7 = vector.extract_strided_slice %div3A_5 {offsets = [0, 2], sizes = [16, 1], strides = [1, 1]} : vector<16x4xf32> to vector<16x1xf32>
    %slice3A_8 = vector.extract_strided_slice %div3A_5 {offsets = [0, 3], sizes = [16, 1], strides = [1, 1]} : vector<16x4xf32> to vector<16x1xf32>
    %mul3A_9 = arith.mulf %slice3A_6, %slice3A_6 : vector<16x1xf32>
    %mul3A_10 = arith.mulf %slice3A_7, %slice3A_7 : vector<16x1xf32>
    %mul3A_11 = arith.mulf %slice3A_8, %slice3A_8 : vector<16x1xf32>
    %mul3A_12 = arith.mulf %slice3A_6, %slice3A_7 : vector<16x1xf32>
    %mul3A_13 = arith.mulf %slice3A_6, %slice3A_8 : vector<16x1xf32>
    %mul3A_14 = arith.mulf %slice3A_7, %slice3A_8 : vector<16x1xf32>
    %mul3A_15 = arith.mulf %slice3A, %slice3A_6 : vector<16x1xf32>
    %mul3A_16 = arith.mulf %slice3A, %slice3A_7 : vector<16x1xf32>
    %mul3A_17 = arith.mulf %slice3A, %slice3A_8 : vector<16x1xf32>
    %broadcast_in_dim3A_18 = arith.constant 1.000000e+00 : f32
    %broadcast_in_dim3A_19 = vector.broadcast %broadcast_in_dim3A_18 : f32 to vector<16x1xf32>
    %add3A = arith.addf %mul3A_10, %mul3A_11 : vector<16x1xf32>
    %mul3A_20 = arith.constant 2.000000e+00 : f32
    %mul3A_21 = vector.broadcast %mul3A_20 : f32 to vector<16x1xf32>
    %mul3A_22 = arith.mulf %mul3A_21, %add3A : vector<16x1xf32>
    %sub3A = arith.subf %broadcast_in_dim3A_19, %mul3A_22 : vector<16x1xf32>
    %add3A_23 = arith.addf %mul3A_12, %mul3A_17 : vector<16x1xf32>
    %mul3A_24 = arith.constant 2.000000e+00 : f32
    %mul3A_25 = vector.broadcast %mul3A_24 : f32 to vector<16x1xf32>
    %mul3A_26 = arith.mulf %mul3A_25, %add3A_23 : vector<16x1xf32>
    %sub3A_27 = arith.subf %mul3A_13, %mul3A_16 : vector<16x1xf32>
    %mul3A_28 = arith.constant 2.000000e+00 : f32
    %mul3A_29 = vector.broadcast %mul3A_28 : f32 to vector<16x1xf32>
    %mul3A_30 = arith.mulf %mul3A_29, %sub3A_27 : vector<16x1xf32>
    %sub3A_31 = arith.subf %mul3A_12, %mul3A_17 : vector<16x1xf32>
    %mul3A_32 = arith.constant 2.000000e+00 : f32
    %mul3A_33 = vector.broadcast %mul3A_32 : f32 to vector<16x1xf32>
    %mul3A_34 = arith.mulf %mul3A_33, %sub3A_31 : vector<16x1xf32>
    %add3A_35 = arith.addf %mul3A_9, %mul3A_11 : vector<16x1xf32>
    %mul3A_36 = arith.constant 2.000000e+00 : f32
    %mul3A_37 = vector.broadcast %mul3A_36 : f32 to vector<16x1xf32>
    %mul3A_38 = arith.mulf %mul3A_37, %add3A_35 : vector<16x1xf32>
    %sub3A_39 = arith.subf %broadcast_in_dim3A_19, %mul3A_38 : vector<16x1xf32>
    %add3A_40 = arith.addf %mul3A_14, %mul3A_15 : vector<16x1xf32>
    %mul3A_41 = arith.constant 2.000000e+00 : f32
    %mul3A_42 = vector.broadcast %mul3A_41 : f32 to vector<16x1xf32>
    %mul3A_43 = arith.mulf %mul3A_42, %add3A_40 : vector<16x1xf32>
    %add3A_44 = arith.addf %mul3A_13, %mul3A_16 : vector<16x1xf32>
    %mul3A_45 = arith.constant 2.000000e+00 : f32
    %mul3A_46 = vector.broadcast %mul3A_45 : f32 to vector<16x1xf32>
    %mul3A_47 = arith.mulf %mul3A_46, %add3A_44 : vector<16x1xf32>
    %sub3A_48 = arith.subf %mul3A_14, %mul3A_15 : vector<16x1xf32>
    %mul3A_49 = arith.constant 2.000000e+00 : f32
    %mul3A_50 = vector.broadcast %mul3A_49 : f32 to vector<16x1xf32>
    %mul3A_51 = arith.mulf %mul3A_50, %sub3A_48 : vector<16x1xf32>
    %add3A_52 = arith.addf %mul3A_9, %mul3A_10 : vector<16x1xf32>
    %mul3A_53 = arith.constant 2.000000e+00 : f32
    %mul3A_54 = vector.broadcast %mul3A_53 : f32 to vector<16x1xf32>
    %mul3A_55 = arith.mulf %mul3A_54, %add3A_52 : vector<16x1xf32>
    %sub3A_56 = arith.subf %broadcast_in_dim3A_19, %mul3A_55 : vector<16x1xf32>
    %get3A_57 = arith.constant 0 : index
    %get3A_58 = arith.constant 0 : index
    %get3A_59 = vector.load %arg1[%get3A_57, %get3A_58] : memref<16x3xf32, #tpu.memory_space<vmem>>, vector<16x3xf32>
    %slice3A_60 = vector.extract_strided_slice %get3A_59 {offsets = [0, 0], sizes = [16, 1], strides = [1, 1]} : vector<16x3xf32> to vector<16x1xf32>
    %slice3A_61 = vector.extract_strided_slice %get3A_59 {offsets = [0, 1], sizes = [16, 1], strides = [1, 1]} : vector<16x3xf32> to vector<16x1xf32>
    %slice3A_62 = vector.extract_strided_slice %get3A_59 {offsets = [0, 2], sizes = [16, 1], strides = [1, 1]} : vector<16x3xf32> to vector<16x1xf32>
    %mul3A_63 = arith.mulf %sub3A, %slice3A_60 : vector<16x1xf32>
    %mul3A_64 = arith.mulf %mul3A_26, %slice3A_61 : vector<16x1xf32>
    %add3A_65 = arith.addf %mul3A_63, %mul3A_64 : vector<16x1xf32>
    %mul3A_66 = arith.mulf %mul3A_30, %slice3A_62 : vector<16x1xf32>
    %add3A_67 = arith.addf %add3A_65, %mul3A_66 : vector<16x1xf32>
    %neg3A = arith.constant 0.000000e+00 : f32
    %neg3A_68 = vector.broadcast %neg3A : f32 to vector<16x1xf32>
    %neg3A_69 = arith.subf %neg3A_68, %add3A_67 : vector<16x1xf32>
    %mul3A_70 = arith.mulf %mul3A_34, %slice3A_60 : vector<16x1xf32>
    %mul3A_71 = arith.mulf %sub3A_39, %slice3A_61 : vector<16x1xf32>
    %add3A_72 = arith.addf %mul3A_70, %mul3A_71 : vector<16x1xf32>
    %mul3A_73 = arith.mulf %mul3A_43, %slice3A_62 : vector<16x1xf32>
    %add3A_74 = arith.addf %add3A_72, %mul3A_73 : vector<16x1xf32>
    %neg3A_75 = arith.constant 0.000000e+00 : f32
    %neg3A_76 = vector.broadcast %neg3A_75 : f32 to vector<16x1xf32>
    %neg3A_77 = arith.subf %neg3A_76, %add3A_74 : vector<16x1xf32>
    %mul3A_78 = arith.mulf %mul3A_47, %slice3A_60 : vector<16x1xf32>
    %mul3A_79 = arith.mulf %mul3A_51, %slice3A_61 : vector<16x1xf32>
    %add3A_80 = arith.addf %mul3A_78, %mul3A_79 : vector<16x1xf32>
    %mul3A_81 = arith.mulf %sub3A_56, %slice3A_62 : vector<16x1xf32>
    %add3A_82 = arith.addf %add3A_80, %mul3A_81 : vector<16x1xf32>
    %neg3A_83 = arith.constant 0.000000e+00 : f32
    %neg3A_84 = vector.broadcast %neg3A_83 : f32 to vector<16x1xf32>
    %neg3A_85 = arith.subf %neg3A_84, %add3A_82 : vector<16x1xf32>
    %concatenate3A = tpu.concatenate %sub3A, %mul3A_34, %mul3A_47, %mul3A_26, %sub3A_39, %mul3A_51, %mul3A_30, %mul3A_43, %sub3A_56, %neg3A_69, %neg3A_77, %neg3A_85 in 1 : vector<16x1xf32>, vector<16x1xf32>, vector<16x1xf32>, vector<16x1xf32>, vector<16x1xf32>, vector<16x1xf32>, vector<16x1xf32>, vector<16x1xf32>, vector<16x1xf32>, vector<16x1xf32>, vector<16x1xf32>, vector<16x1xf32> -> vector<16x12xf32>
    %swap3A = arith.constant 0 : index
    %swap3A_86 = arith.constant 0 : index
    %swap3A_87 = vector.load %arg2[%swap3A, %swap3A_86] : memref<16x12xf32, #tpu.memory_space<vmem>>, vector<16x12xf32>
    tpu.vector_store %arg2[%swap3A, %swap3A_86], %concatenate3A {strides = array<i32>} : memref<16x12xf32, #tpu.memory_space<vmem>>, vector<16x12xf32>,
    return
  }
}

module attributes {stable_mosaic.version = 14 : i64} {
  func.func @_prep2_body(%arg0: memref<64x3xf32, #tpu.memory_space<vmem>>, %arg1: memref<3x256xf32, #tpu.memory_space<vmem>>, %arg2: memref<16x128xf32, #tpu.memory_space<vmem>>, %arg3: memref<128x256xf32, #tpu.memory_space<vmem>>, %arg4: memref<1x256xf32, #tpu.memory_space<vmem>>, %arg5: memref<1x256xf32, #tpu.memory_space<vmem>>, %arg6: memref<64x256xf32, #tpu.memory_space<vmem>>, %arg7: memref<16x256xf32, #tpu.memory_space<vmem>>) attributes {dimension_semantics = [], scalar_prefetch = 0 : i64, scratch_operands = 0 : i64, tpu.core_type = #tpu.core_type<tc>} {
    %get3A = arith.constant 0 : index
    %get3A_0 = arith.constant 0 : index
    %get3A_1 = vector.load %arg0[%get3A, %get3A_0] : memref<64x3xf32, #tpu.memory_space<vmem>>, vector<64x3xf32>
    %get3A_2 = arith.constant 0 : index
    %get3A_3 = arith.constant 0 : index
    %get3A_4 = vector.load %arg1[%get3A_2, %get3A_3] : memref<3x256xf32, #tpu.memory_space<vmem>>, vector<3x256xf32>
    %dot_general3A = arith.constant dense<0.000000e+00> : vector<64x256xf32>
    %dot_general3A_5 = tpu.matmul %get3A_1, %get3A_4, %dot_general3A {dimension_numbers = #tpu.dot_dimension_numbers<[1], [0], [0], [1], [0, 0, 1, 1], [], []>, transpose_lhs_hint = false} : vector<64x3xf32>, vector<3x256xf32>, vector<64x256xf32> -> vector<64x256xf32>
    %swap3A = arith.constant 0 : index
    %swap3A_6 = arith.constant 0 : index
    %swap3A_7 = vector.load %arg6[%swap3A, %swap3A_6] : memref<64x256xf32, #tpu.memory_space<vmem>>, vector<64x256xf32>
    tpu.vector_store %arg6[%swap3A, %swap3A_6], %dot_general3A_5 {strides = array<i32>} : memref<64x256xf32, #tpu.memory_space<vmem>>, vector<64x256xf32>,
    %get3A_8 = arith.constant 0 : index
    %get3A_9 = arith.constant 0 : index
    %get3A_10 = vector.load %arg2[%get3A_8, %get3A_9] : memref<16x128xf32, #tpu.memory_space<vmem>>, vector<16x128xf32>
    %get3A_11 = arith.constant 0 : index
    %get3A_12 = arith.constant 0 : index
    %get3A_13 = vector.load %arg3[%get3A_11, %get3A_12] : memref<128x256xf32, #tpu.memory_space<vmem>>, vector<128x256xf32>
    %dot_general3A_14 = arith.constant dense<0.000000e+00> : vector<16x256xf32>
    %dot_general3A_15 = tpu.matmul %get3A_10, %get3A_13, %dot_general3A_14 {dimension_numbers = #tpu.dot_dimension_numbers<[1], [0], [0], [1], [0, 0, 1, 1], [], []>, transpose_lhs_hint = false} : vector<16x128xf32>, vector<128x256xf32>, vector<16x256xf32> -> vector<16x256xf32>
    %get3A_16 = arith.constant 0 : index
    %get3A_17 = arith.constant 0 : index
    %get3A_18 = vector.load %arg4[%get3A_16, %get3A_17] : memref<1x256xf32, #tpu.memory_space<vmem>>, vector<1x256xf32>
    %add3A = vector.broadcast %get3A_18 : vector<1x256xf32> to vector<16x256xf32>
    %add3A_19 = arith.addf %dot_general3A_15, %add3A : vector<16x256xf32>
    %get3A_20 = arith.constant 0 : index
    %get3A_21 = arith.constant 0 : index
    %get3A_22 = vector.load %arg5[%get3A_20, %get3A_21] : memref<1x256xf32, #tpu.memory_space<vmem>>, vector<1x256xf32>
    %add3A_23 = vector.broadcast %get3A_22 : vector<1x256xf32> to vector<16x256xf32>
    %add3A_24 = arith.addf %add3A_19, %add3A_23 : vector<16x256xf32>
    %swap3A_25 = arith.constant 0 : index
    %swap3A_26 = arith.constant 0 : index
    %swap3A_27 = vector.load %arg7[%swap3A_25, %swap3A_26] : memref<16x256xf32, #tpu.memory_space<vmem>>, vector<16x256xf32>
    tpu.vector_store %arg7[%swap3A_25, %swap3A_26], %add3A_24 {strides = array<i32>} : memref<16x256xf32, #tpu.memory_space<vmem>>, vector<16x256xf32>,
    return
  }
}

module attributes {stable_mosaic.version = 14 : i64} {
  func.func @_mlp_body(%arg0: i32, %arg1: memref<16xi32, #tpu.memory_space<smem>>, %arg2: memref<1x4096x4xf32, #tpu.memory_space<vmem>>, %arg3: memref<1x4x256xf32, #tpu.memory_space<vmem>>, %arg4: memref<1x1x256xf32, #tpu.memory_space<vmem>>, %arg5: memref<256x256xf32, #tpu.memory_space<vmem>>, %arg6: memref<1x256xf32, #tpu.memory_space<vmem>>, %arg7: memref<256x256xf32, #tpu.memory_space<vmem>>, %arg8: memref<1x256xf32, #tpu.memory_space<vmem>>, %arg9: memref<1x256xf32, #tpu.memory_space<vmem>>, %arg10: memref<1x1xf32, #tpu.memory_space<vmem>>, %arg11: memref<1x1x4096xf32, #tpu.memory_space<vmem>>) attributes {dimension_semantics = [#tpu.dimension_semantics<arbitrary>], iteration_bounds = array<i64: 16>, scalar_prefetch = 1 : i64, scratch_operands = 0 : i64, tpu.core_type = #tpu.core_type<tc>, window_params = [{transform_indices = @transform_0, window_bounds = array<i64: 1, 4096, 4>}, {transform_indices = @transform_1, window_bounds = array<i64: 1, 4, 256>}, {transform_indices = @transform_2, window_bounds = array<i64: 1, 1, 256>}, {pipeline_mode = #tpu.pipeline_mode<synchronous>, transform_indices = @transform_3, window_bounds = array<i64: 256, 256>}, {pipeline_mode = #tpu.pipeline_mode<synchronous>, transform_indices = @transform_4, window_bounds = array<i64: 1, 256>}, {pipeline_mode = #tpu.pipeline_mode<synchronous>, transform_indices = @transform_5, window_bounds = array<i64: 256, 256>}, {pipeline_mode = #tpu.pipeline_mode<synchronous>, transform_indices = @transform_6, window_bounds = array<i64: 1, 256>}, {pipeline_mode = #tpu.pipeline_mode<synchronous>, transform_indices = @transform_7, window_bounds = array<i64: 1, 256>}, {pipeline_mode = #tpu.pipeline_mode<synchronous>, transform_indices = @transform_8, window_bounds = array<i64: 1, 1>}, {transform_indices = @transform_9, window_bounds = array<i64: 1, 1, 4096>}]} {
    %get3A = arith.index_cast %arg0 : i32 to index
    %get3A_0 = memref.load %arg1[%get3A] : memref<16xi32, #tpu.memory_space<smem>>
    %add3A = arith.constant 512 : i32
    %add3A_1 = arith.addi %get3A_0, %add3A : i32
    %sub3A = arith.constant 1 : i32
    %sub3A_2 = arith.subi %add3A_1, %sub3A : i32
    %jit3A = arith.constant 512 : i32
    %div3A = arith.divsi %sub3A_2, %jit3A : i32
    %sign3A = arith.constant 0 : i32
    %sign3A_3 = arith.cmpi sgt, %sub3A_2, %sign3A : i32
    %sign3A_4 = arith.extui %sign3A_3 : i1 to i32
    %sign3A_5 = arith.constant 0 : i32
    %sign3A_6 = arith.cmpi slt, %sub3A_2, %sign3A_5 : i32
    %sign3A_7 = arith.extui %sign3A_6 : i1 to i32
    %sign3A_8 = arith.subi %sign3A_4, %sign3A_7 : i32
    %sign3A_9 = arith.constant 0 : i32
    %sign3A_10 = arith.cmpi sgt, %jit3A, %sign3A_9 : i32
    %sign3A_11 = arith.extui %sign3A_10 : i1 to i32
    %sign3A_12 = arith.constant 0 : i32
    %sign3A_13 = arith.cmpi slt, %jit3A, %sign3A_12 : i32
    %sign3A_14 = arith.extui %sign3A_13 : i1 to i32
    %sign3A_15 = arith.subi %sign3A_11, %sign3A_14 : i32
    %ne3A = arith.cmpi ne, %sign3A_8, %sign3A_15 : i32
    %rem3A = arith.remsi %sub3A_2, %jit3A : i32
    %ne3A_16 = arith.constant 0 : i32
    %ne3A_17 = arith.cmpi ne, %rem3A, %ne3A_16 : i32
    %and3A = arith.andi %ne3A, %ne3A_17 : i1
    %sub3A_18 = arith.constant 1 : i32
    %sub3A_19 = arith.subi %div3A, %sub3A_18 : i32
    %select_n3A = arith.select %and3A, %sub3A_19, %div3A : i32
    %get3A_20 = arith.constant 0 : index
    %get3A_21 = arith.constant 0 : index
    %get3A_22 = arith.constant 0 : index
    %get3A_23 = vector.load %arg3[%get3A_20, %get3A_21, %get3A_22] : memref<1x4x256xf32, #tpu.memory_space<vmem>>, vector<1x4x256xf32>
    %get3A_24 = vector.shape_cast %get3A_23 : vector<1x4x256xf32> to vector<4x256xf32>
    %get3A_25 = arith.constant 0 : index
    %get3A_26 = arith.constant 0 : index
    %get3A_27 = arith.constant 0 : index
    %get3A_28 = vector.load %arg4[%get3A_25, %get3A_26, %get3A_27] : memref<1x1x256xf32, #tpu.memory_space<vmem>>, vector<1x1x256xf32>
    %get3A_29 = vector.shape_cast %get3A_28 : vector<1x1x256xf32> to vector<1x256xf32>
    %get3A_30 = arith.constant 0 : index
    %get3A_31 = arith.constant 0 : index
    %get3A_32 = vector.load %arg5[%get3A_30, %get3A_31] : memref<256x256xf32, #tpu.memory_space<vmem>>, vector<256x256xf32>
    %get3A_33 = arith.constant 0 : index
    %get3A_34 = arith.constant 0 : index
    %get3A_35 = vector.load %arg6[%get3A_33, %get3A_34] : memref<1x256xf32, #tpu.memory_space<vmem>>, vector<1x256xf32>
    %get3A_36 = arith.constant 0 : index
    %get3A_37 = arith.constant 0 : index
    %get3A_38 = vector.load %arg7[%get3A_36, %get3A_37] : memref<256x256xf32, #tpu.memory_space<vmem>>, vector<256x256xf32>
    %get3A_39 = arith.constant 0 : index
    %get3A_40 = arith.constant 0 : index
    %get3A_41 = vector.load %arg8[%get3A_39, %get3A_40] : memref<1x256xf32, #tpu.memory_space<vmem>>, vector<1x256xf32>
    %get3A_42 = arith.constant 0 : index
    %get3A_43 = arith.constant 0 : index
    %get3A_44 = vector.load %arg9[%get3A_42, %get3A_43] : memref<1x256xf32, #tpu.memory_space<vmem>>, vector<1x256xf32>
    %get3A_45 = arith.constant 0 : index
    %get3A_46 = arith.constant 0 : index
    %get3A_47 = vector.load %arg10[%get3A_45, %get3A_46] : memref<1x1xf32, #tpu.memory_space<vmem>>, vector<1x1xf32>
    %add3A_48 = arith.constant 1 : i32
    %add3A_49 = arith.addi %select_n3A, %add3A_48 : i32
    %jit3A_50 = arith.constant 2 : i32
    %div3A_51 = arith.divsi %add3A_49, %jit3A_50 : i32
    %sign3A_52 = arith.constant 0 : i32
    %sign3A_53 = arith.cmpi sgt, %add3A_49, %sign3A_52 : i32
    %sign3A_54 = arith.extui %sign3A_53 : i1 to i32
    %sign3A_55 = arith.constant 0 : i32
    %sign3A_56 = arith.cmpi slt, %add3A_49, %sign3A_55 : i32
    %sign3A_57 = arith.extui %sign3A_56 : i1 to i32
    %sign3A_58 = arith.subi %sign3A_54, %sign3A_57 : i32
    %sign3A_59 = arith.constant 0 : i32
    %sign3A_60 = arith.cmpi sgt, %jit3A_50, %sign3A_59 : i32
    %sign3A_61 = arith.extui %sign3A_60 : i1 to i32
    %sign3A_62 = arith.constant 0 : i32
    %sign3A_63 = arith.cmpi slt, %jit3A_50, %sign3A_62 : i32
    %sign3A_64 = arith.extui %sign3A_63 : i1 to i32
    %sign3A_65 = arith.subi %sign3A_61, %sign3A_64 : i32
    %ne3A_66 = arith.cmpi ne, %sign3A_58, %sign3A_65 : i32
    %rem3A_67 = arith.remsi %add3A_49, %jit3A_50 : i32
    %ne3A_68 = arith.constant 0 : i32
    %ne3A_69 = arith.cmpi ne, %rem3A_67, %ne3A_68 : i32
    %and3A_70 = arith.andi %ne3A_66, %ne3A_69 : i1
    %sub3A_71 = arith.constant 1 : i32
    %sub3A_72 = arith.subi %div3A_51, %sub3A_71 : i32
    %select_n3A_73 = arith.select %and3A_70, %sub3A_72, %div3A_51 : i32
    %while3A = arith.constant 0 : i32
    %while3A_74 = arith.constant 0 : i32
    %while3A_75 = arith.subi %select_n3A_73, %while3A_74 : i32
    %while3A_76 = arith.addi %while3A_74, %while3A_75 : i32
    %while3A_77 = arith.constant 1 : i32
    %while3A_78 = arith.divsi %while3A_75, %while3A_77 : i32
    %while3A_79 = arith.muli %while3A_78, %while3A_77 : i32
    %while3A_80 = arith.addi %while3A_74, %while3A_79 : i32
    %while3A_81 = arith.constant 1 : i32
    scf.for %while3A_83 = %while3A_74 to %while3A_80 step %while3A_81  : i32 {
      %mul3A = arith.constant 2 : i32
      %mul3A_84 = arith.muli %mul3A, %while3A_83 : i32
      %add3A_85 = arith.constant 0 : i32
      %add3A_86 = arith.addi %mul3A_84, %add3A_85 : i32
      %mul3A_87 = arith.constant 512 : i32
      %mul3A_88 = arith.muli %add3A_86, %mul3A_87 : i32
      %get3A_89 = arith.constant 0 : index
      %get3A_90 = arith.index_cast %mul3A_88 : i32 to index
      %get3A_91 = arith.constant 0 : index
      %get3A_92 = vector.load %arg2[%get3A_89, %get3A_90, %get3A_91] : memref<1x4096x4xf32, #tpu.memory_space<vmem>>, vector<1x512x4xf32>
      %get3A_93 = vector.shape_cast %get3A_92 : vector<1x512x4xf32> to vector<512x4xf32>
      %dot_general3A = arith.constant dense<0.000000e+00> : vector<512x256xf32>
      %dot_general3A_94 = tpu.matmul %get3A_93, %get3A_24, %dot_general3A {dimension_numbers = #tpu.dot_dimension_numbers<[1], [0], [0], [1], [0, 0, 1, 1], [], []>, transpose_lhs_hint = false} : vector<512x4xf32>, vector<4x256xf32>, vector<512x256xf32> -> vector<512x256xf32>
      %add3A_95 = vector.broadcast %get3A_29 : vector<1x256xf32> to vector<512x256xf32>
      %add3A_96 = arith.addf %dot_general3A_94, %add3A_95 : vector<512x256xf32>
      %max3A = arith.constant 0.000000e+00 : f32
      %max3A_97 = vector.broadcast %max3A : f32 to vector<512x256xf32>
      %max3A_98 = arith.maximumf %add3A_96, %max3A_97 : vector<512x256xf32>
      %dot_general3A_99 = arith.constant dense<0.000000e+00> : vector<512x256xf32>
      %dot_general3A_100 = tpu.matmul %max3A_98, %get3A_32, %dot_general3A_99 {dimension_numbers = #tpu.dot_dimension_numbers<[1], [0], [0], [1], [0, 0, 1, 1], [], []>, transpose_lhs_hint = false} : vector<512x256xf32>, vector<256x256xf32>, vector<512x256xf32> -> vector<512x256xf32>
      %add3A_101 = vector.broadcast %get3A_35 : vector<1x256xf32> to vector<512x256xf32>
      %add3A_102 = arith.addf %dot_general3A_100, %add3A_101 : vector<512x256xf32>
      %max3A_103 = arith.constant 0.000000e+00 : f32
      %max3A_104 = vector.broadcast %max3A_103 : f32 to vector<512x256xf32>
      %max3A_105 = arith.maximumf %add3A_102, %max3A_104 : vector<512x256xf32>
      %dot_general3A_106 = arith.constant dense<0.000000e+00> : vector<512x256xf32>
      %dot_general3A_107 = tpu.matmul %max3A_105, %get3A_38, %dot_general3A_106 {dimension_numbers = #tpu.dot_dimension_numbers<[1], [0], [0], [1], [0, 0, 1, 1], [], []>, transpose_lhs_hint = false} : vector<512x256xf32>, vector<256x256xf32>, vector<512x256xf32> -> vector<512x256xf32>
      %add3A_108 = vector.broadcast %get3A_41 : vector<1x256xf32> to vector<512x256xf32>
      %add3A_109 = arith.addf %dot_general3A_107, %add3A_108 : vector<512x256xf32>
      %add3A_110 = arith.addf %add3A_96, %add3A_109 : vector<512x256xf32>
      %max3A_111 = arith.constant 0.000000e+00 : f32
      %max3A_112 = vector.broadcast %max3A_111 : f32 to vector<512x256xf32>
      %max3A_113 = arith.maximumf %add3A_110, %max3A_112 : vector<512x256xf32>
      %mul3A_114 = vector.broadcast %get3A_44 : vector<1x256xf32> to vector<512x256xf32>
      %mul3A_115 = arith.mulf %max3A_113, %mul3A_114 : vector<512x256xf32>
      %reduce_sum3A = arith.constant dense<0.000000e+00> : vector<512xf32>
      %reduce_sum3A_116 = vector.multi_reduction <add>, %mul3A_115, %reduce_sum3A [1] : vector<512x256xf32> to vector<512xf32>
      %broadcast_in_dim3A = vector.shape_cast %reduce_sum3A_116 : vector<512xf32> to vector<512x1xf32>
      %add3A_117 = vector.broadcast %get3A_47 : vector<1x1xf32> to vector<512x1xf32>
      %add3A_118 = arith.addf %broadcast_in_dim3A, %add3A_117 : vector<512x1xf32>
      %mul3A_119 = arith.constant 1.000000e+01 : f32
      %mul3A_120 = vector.broadcast %mul3A_119 : f32 to vector<512x1xf32>
      %mul3A_121 = arith.mulf %mul3A_120, %add3A_118 : vector<512x1xf32>
      %logistic3A = arith.negf %mul3A_121 : vector<512x1xf32>
      %logistic3A_122 = math.exp %logistic3A : vector<512x1xf32>
      %logistic3A_123 = arith.constant 1.000000e+00 : f32
      %logistic3A_124 = vector.broadcast %logistic3A_123 : f32 to vector<512x1xf32>
      %logistic3A_125 = arith.addf %logistic3A_124, %logistic3A_122 : vector<512x1xf32>
      %logistic3A_126 = arith.divf %logistic3A_124, %logistic3A_125 : vector<512x1xf32>
      %transpose3A = tpu.transpose %logistic3A_126, [1, 0] : vector<512x1xf32> -> vector<1x512xf32>
      %mul3A_127 = arith.constant 2 : i32
      %mul3A_128 = arith.muli %mul3A_127, %while3A_83 : i32
      %add3A_129 = arith.constant 0 : i32
      %add3A_130 = arith.addi %mul3A_128, %add3A_129 : i32
      %mul3A_131 = arith.constant 512 : i32
      %mul3A_132 = arith.muli %add3A_130, %mul3A_131 : i32
      %swap3A = arith.constant 0 : index
      %swap3A_133 = arith.constant 0 : index
      %swap3A_134 = arith.index_cast %mul3A_132 : i32 to index
      %swap3A_135 = vector.load %arg11[%swap3A, %swap3A_133, %swap3A_134] : memref<1x1x4096xf32, #tpu.memory_space<vmem>>, vector<1x1x512xf32>
      %swap3A_136 = vector.shape_cast %swap3A_135 : vector<1x1x512xf32> to vector<1x512xf32>
      %swap3A_137 = vector.shape_cast %transpose3A : vector<1x512xf32> to vector<1x1x512xf32>
      tpu.vector_store %arg11[%swap3A, %swap3A_133, %swap3A_134], %swap3A_137 {strides = array<i32>} : memref<1x1x4096xf32, #tpu.memory_space<vmem>>, vector<1x1x512xf32>,
      %mul3A_138 = arith.constant 2 : i32
      %mul3A_139 = arith.muli %mul3A_138, %while3A_83 : i32
      %add3A_140 = arith.constant 1 : i32
      %add3A_141 = arith.addi %mul3A_139, %add3A_140 : i32
      %mul3A_142 = arith.constant 512 : i32
      %mul3A_143 = arith.muli %add3A_141, %mul3A_142 : i32
      %get3A_144 = arith.constant 0 : index
      %get3A_145 = arith.index_cast %mul3A_143 : i32 to index
      %get3A_146 = arith.constant 0 : index
      %get3A_147 = vector.load %arg2[%get3A_144, %get3A_145, %get3A_146] : memref<1x4096x4xf32, #tpu.memory_space<vmem>>, vector<1x512x4xf32>
      %get3A_148 = vector.shape_cast %get3A_147 : vector<1x512x4xf32> to vector<512x4xf32>
      %dot_general3A_149 = arith.constant dense<0.000000e+00> : vector<512x256xf32>
      %dot_general3A_150 = tpu.matmul %get3A_148, %get3A_24, %dot_general3A_149 {dimension_numbers = #tpu.dot_dimension_numbers<[1], [0], [0], [1], [0, 0, 1, 1], [], []>, transpose_lhs_hint = false} : vector<512x4xf32>, vector<4x256xf32>, vector<512x256xf32> -> vector<512x256xf32>
      %add3A_151 = vector.broadcast %get3A_29 : vector<1x256xf32> to vector<512x256xf32>
      %add3A_152 = arith.addf %dot_general3A_150, %add3A_151 : vector<512x256xf32>
      %max3A_153 = arith.constant 0.000000e+00 : f32
      %max3A_154 = vector.broadcast %max3A_153 : f32 to vector<512x256xf32>
      %max3A_155 = arith.maximumf %add3A_152, %max3A_154 : vector<512x256xf32>
      %dot_general3A_156 = arith.constant dense<0.000000e+00> : vector<512x256xf32>
      %dot_general3A_157 = tpu.matmul %max3A_155, %get3A_32, %dot_general3A_156 {dimension_numbers = #tpu.dot_dimension_numbers<[1], [0], [0], [1], [0, 0, 1, 1], [], []>, transpose_lhs_hint = false} : vector<512x256xf32>, vector<256x256xf32>, vector<512x256xf32> -> vector<512x256xf32>
      %add3A_158 = vector.broadcast %get3A_35 : vector<1x256xf32> to vector<512x256xf32>
      %add3A_159 = arith.addf %dot_general3A_157, %add3A_158 : vector<512x256xf32>
      %max3A_160 = arith.constant 0.000000e+00 : f32
      %max3A_161 = vector.broadcast %max3A_160 : f32 to vector<512x256xf32>
      %max3A_162 = arith.maximumf %add3A_159, %max3A_161 : vector<512x256xf32>
      %dot_general3A_163 = arith.constant dense<0.000000e+00> : vector<512x256xf32>
      %dot_general3A_164 = tpu.matmul %max3A_162, %get3A_38, %dot_general3A_163 {dimension_numbers = #tpu.dot_dimension_numbers<[1], [0], [0], [1], [0, 0, 1, 1], [], []>, transpose_lhs_hint = false} : vector<512x256xf32>, vector<256x256xf32>, vector<512x256xf32> -> vector<512x256xf32>
      %add3A_165 = vector.broadcast %get3A_41 : vector<1x256xf32> to vector<512x256xf32>
      %add3A_166 = arith.addf %dot_general3A_164, %add3A_165 : vector<512x256xf32>
      %add3A_167 = arith.addf %add3A_152, %add3A_166 : vector<512x256xf32>
      %max3A_168 = arith.constant 0.000000e+00 : f32
      %max3A_169 = vector.broadcast %max3A_168 : f32 to vector<512x256xf32>
      %max3A_170 = arith.maximumf %add3A_167, %max3A_169 : vector<512x256xf32>
      %mul3A_171 = vector.broadcast %get3A_44 : vector<1x256xf32> to vector<512x256xf32>
      %mul3A_172 = arith.mulf %max3A_170, %mul3A_171 : vector<512x256xf32>
      %reduce_sum3A_173 = arith.constant dense<0.000000e+00> : vector<512xf32>
      %reduce_sum3A_174 = vector.multi_reduction <add>, %mul3A_172, %reduce_sum3A_173 [1] : vector<512x256xf32> to vector<512xf32>
      %broadcast_in_dim3A_175 = vector.shape_cast %reduce_sum3A_174 : vector<512xf32> to vector<512x1xf32>
      %add3A_176 = vector.broadcast %get3A_47 : vector<1x1xf32> to vector<512x1xf32>
      %add3A_177 = arith.addf %broadcast_in_dim3A_175, %add3A_176 : vector<512x1xf32>
      %mul3A_178 = arith.constant 1.000000e+01 : f32
      %mul3A_179 = vector.broadcast %mul3A_178 : f32 to vector<512x1xf32>
      %mul3A_180 = arith.mulf %mul3A_179, %add3A_177 : vector<512x1xf32>
      %logistic3A_181 = arith.negf %mul3A_180 : vector<512x1xf32>
      %logistic3A_182 = math.exp %logistic3A_181 : vector<512x1xf32>
      %logistic3A_183 = arith.constant 1.000000e+00 : f32
      %logistic3A_184 = vector.broadcast %logistic3A_183 : f32 to vector<512x1xf32>
      %logistic3A_185 = arith.addf %logistic3A_184, %logistic3A_182 : vector<512x1xf32>
      %logistic3A_186 = arith.divf %logistic3A_184, %logistic3A_185 : vector<512x1xf32>
      %transpose3A_187 = tpu.transpose %logistic3A_186, [1, 0] : vector<512x1xf32> -> vector<1x512xf32>
      %mul3A_188 = arith.constant 2 : i32
      %mul3A_189 = arith.muli %mul3A_188, %while3A_83 : i32
      %add3A_190 = arith.constant 1 : i32
      %add3A_191 = arith.addi %mul3A_189, %add3A_190 : i32
      %mul3A_192 = arith.constant 512 : i32
      %mul3A_193 = arith.muli %add3A_191, %mul3A_192 : i32
      %swap3A_194 = arith.constant 0 : index
      %swap3A_195 = arith.constant 0 : index
      %swap3A_196 = arith.index_cast %mul3A_193 : i32 to index
      %swap3A_197 = vector.load %arg11[%swap3A_194, %swap3A_195, %swap3A_196] : memref<1x1x4096xf32, #tpu.memory_space<vmem>>, vector<1x1x512xf32>
      %swap3A_198 = vector.shape_cast %swap3A_197 : vector<1x1x512xf32> to vector<1x512xf32>
      %swap3A_199 = vector.shape_cast %transpose3A_187 : vector<1x512xf32> to vector<1x1x512xf32>
      tpu.vector_store %arg11[%swap3A_194, %swap3A_195, %swap3A_196], %swap3A_199 {strides = array<i32>} : memref<1x1x4096xf32, #tpu.memory_space<vmem>>, vector<1x1x512xf32>,
    }
    %while3A_82 = arith.constant 1 : i32
    scf.for %while3A_83 = %while3A_80 to %while3A_76 step %while3A_82  : i32 {
      %mul3A = arith.constant 2 : i32
      %mul3A_84 = arith.muli %mul3A, %while3A_83 : i32
      %add3A_85 = arith.constant 0 : i32
      %add3A_86 = arith.addi %mul3A_84, %add3A_85 : i32
      %mul3A_87 = arith.constant 512 : i32
      %mul3A_88 = arith.muli %add3A_86, %mul3A_87 : i32
      %get3A_89 = arith.constant 0 : index
      %get3A_90 = arith.index_cast %mul3A_88 : i32 to index
      %get3A_91 = arith.constant 0 : index
      %get3A_92 = vector.load %arg2[%get3A_89, %get3A_90, %get3A_91] : memref<1x4096x4xf32, #tpu.memory_space<vmem>>, vector<1x512x4xf32>
      %get3A_93 = vector.shape_cast %get3A_92 : vector<1x512x4xf32> to vector<512x4xf32>
      %dot_general3A = arith.constant dense<0.000000e+00> : vector<512x256xf32>
      %dot_general3A_94 = tpu.matmul %get3A_93, %get3A_24, %dot_general3A {dimension_numbers = #tpu.dot_dimension_numbers<[1], [0], [0], [1], [0, 0, 1, 1], [], []>, transpose_lhs_hint = false} : vector<512x4xf32>, vector<4x256xf32>, vector<512x256xf32> -> vector<512x256xf32>
      %add3A_95 = vector.broadcast %get3A_29 : vector<1x256xf32> to vector<512x256xf32>
      %add3A_96 = arith.addf %dot_general3A_94, %add3A_95 : vector<512x256xf32>
      %max3A = arith.constant 0.000000e+00 : f32
      %max3A_97 = vector.broadcast %max3A : f32 to vector<512x256xf32>
      %max3A_98 = arith.maximumf %add3A_96, %max3A_97 : vector<512x256xf32>
      %dot_general3A_99 = arith.constant dense<0.000000e+00> : vector<512x256xf32>
      %dot_general3A_100 = tpu.matmul %max3A_98, %get3A_32, %dot_general3A_99 {dimension_numbers = #tpu.dot_dimension_numbers<[1], [0], [0], [1], [0, 0, 1, 1], [], []>, transpose_lhs_hint = false} : vector<512x256xf32>, vector<256x256xf32>, vector<512x256xf32> -> vector<512x256xf32>
      %add3A_101 = vector.broadcast %get3A_35 : vector<1x256xf32> to vector<512x256xf32>
      %add3A_102 = arith.addf %dot_general3A_100, %add3A_101 : vector<512x256xf32>
      %max3A_103 = arith.constant 0.000000e+00 : f32
      %max3A_104 = vector.broadcast %max3A_103 : f32 to vector<512x256xf32>
      %max3A_105 = arith.maximumf %add3A_102, %max3A_104 : vector<512x256xf32>
      %dot_general3A_106 = arith.constant dense<0.000000e+00> : vector<512x256xf32>
      %dot_general3A_107 = tpu.matmul %max3A_105, %get3A_38, %dot_general3A_106 {dimension_numbers = #tpu.dot_dimension_numbers<[1], [0], [0], [1], [0, 0, 1, 1], [], []>, transpose_lhs_hint = false} : vector<512x256xf32>, vector<256x256xf32>, vector<512x256xf32> -> vector<512x256xf32>
      %add3A_108 = vector.broadcast %get3A_41 : vector<1x256xf32> to vector<512x256xf32>
      %add3A_109 = arith.addf %dot_general3A_107, %add3A_108 : vector<512x256xf32>
      %add3A_110 = arith.addf %add3A_96, %add3A_109 : vector<512x256xf32>
      %max3A_111 = arith.constant 0.000000e+00 : f32
      %max3A_112 = vector.broadcast %max3A_111 : f32 to vector<512x256xf32>
      %max3A_113 = arith.maximumf %add3A_110, %max3A_112 : vector<512x256xf32>
      %mul3A_114 = vector.broadcast %get3A_44 : vector<1x256xf32> to vector<512x256xf32>
      %mul3A_115 = arith.mulf %max3A_113, %mul3A_114 : vector<512x256xf32>
      %reduce_sum3A = arith.constant dense<0.000000e+00> : vector<512xf32>
      %reduce_sum3A_116 = vector.multi_reduction <add>, %mul3A_115, %reduce_sum3A [1] : vector<512x256xf32> to vector<512xf32>
      %broadcast_in_dim3A = vector.shape_cast %reduce_sum3A_116 : vector<512xf32> to vector<512x1xf32>
      %add3A_117 = vector.broadcast %get3A_47 : vector<1x1xf32> to vector<512x1xf32>
      %add3A_118 = arith.addf %broadcast_in_dim3A, %add3A_117 : vector<512x1xf32>
      %mul3A_119 = arith.constant 1.000000e+01 : f32
      %mul3A_120 = vector.broadcast %mul3A_119 : f32 to vector<512x1xf32>
      %mul3A_121 = arith.mulf %mul3A_120, %add3A_118 : vector<512x1xf32>
      %logistic3A = arith.negf %mul3A_121 : vector<512x1xf32>
      %logistic3A_122 = math.exp %logistic3A : vector<512x1xf32>
      %logistic3A_123 = arith.constant 1.000000e+00 : f32
      %logistic3A_124 = vector.broadcast %logistic3A_123 : f32 to vector<512x1xf32>
      %logistic3A_125 = arith.addf %logistic3A_124, %logistic3A_122 : vector<512x1xf32>
      %logistic3A_126 = arith.divf %logistic3A_124, %logistic3A_125 : vector<512x1xf32>
      %transpose3A = tpu.transpose %logistic3A_126, [1, 0] : vector<512x1xf32> -> vector<1x512xf32>
      %mul3A_127 = arith.constant 2 : i32
      %mul3A_128 = arith.muli %mul3A_127, %while3A_83 : i32
      %add3A_129 = arith.constant 0 : i32
      %add3A_130 = arith.addi %mul3A_128, %add3A_129 : i32
      %mul3A_131 = arith.constant 512 : i32
      %mul3A_132 = arith.muli %add3A_130, %mul3A_131 : i32
      %swap3A = arith.constant 0 : index
      %swap3A_133 = arith.constant 0 : index
      %swap3A_134 = arith.index_cast %mul3A_132 : i32 to index
      %swap3A_135 = vector.load %arg11[%swap3A, %swap3A_133, %swap3A_134] : memref<1x1x4096xf32, #tpu.memory_space<vmem>>, vector<1x1x512xf32>
      %swap3A_136 = vector.shape_cast %swap3A_135 : vector<1x1x512xf32> to vector<1x512xf32>
      %swap3A_137 = vector.shape_cast %transpose3A : vector<1x512xf32> to vector<1x1x512xf32>
      tpu.vector_store %arg11[%swap3A, %swap3A_133, %swap3A_134], %swap3A_137 {strides = array<i32>} : memref<1x1x4096xf32, #tpu.memory_space<vmem>>, vector<1x1x512xf32>,
      %mul3A_138 = arith.constant 2 : i32
      %mul3A_139 = arith.muli %mul3A_138, %while3A_83 : i32
      %add3A_140 = arith.constant 1 : i32
      %add3A_141 = arith.addi %mul3A_139, %add3A_140 : i32
      %mul3A_142 = arith.constant 512 : i32
      %mul3A_143 = arith.muli %add3A_141, %mul3A_142 : i32
      %get3A_144 = arith.constant 0 : index
      %get3A_145 = arith.index_cast %mul3A_143 : i32 to index
      %get3A_146 = arith.constant 0 : index
      %get3A_147 = vector.load %arg2[%get3A_144, %get3A_145, %get3A_146] : memref<1x4096x4xf32, #tpu.memory_space<vmem>>, vector<1x512x4xf32>
      %get3A_148 = vector.shape_cast %get3A_147 : vector<1x512x4xf32> to vector<512x4xf32>
      %dot_general3A_149 = arith.constant dense<0.000000e+00> : vector<512x256xf32>
      %dot_general3A_150 = tpu.matmul %get3A_148, %get3A_24, %dot_general3A_149 {dimension_numbers = #tpu.dot_dimension_numbers<[1], [0], [0], [1], [0, 0, 1, 1], [], []>, transpose_lhs_hint = false} : vector<512x4xf32>, vector<4x256xf32>, vector<512x256xf32> -> vector<512x256xf32>
      %add3A_151 = vector.broadcast %get3A_29 : vector<1x256xf32> to vector<512x256xf32>
      %add3A_152 = arith.addf %dot_general3A_150, %add3A_151 : vector<512x256xf32>
      %max3A_153 = arith.constant 0.000000e+00 : f32
      %max3A_154 = vector.broadcast %max3A_153 : f32 to vector<512x256xf32>
      %max3A_155 = arith.maximumf %add3A_152, %max3A_154 : vector<512x256xf32>
      %dot_general3A_156 = arith.constant dense<0.000000e+00> : vector<512x256xf32>
      %dot_general3A_157 = tpu.matmul %max3A_155, %get3A_32, %dot_general3A_156 {dimension_numbers = #tpu.dot_dimension_numbers<[1], [0], [0], [1], [0, 0, 1, 1], [], []>, transpose_lhs_hint = false} : vector<512x256xf32>, vector<256x256xf32>, vector<512x256xf32> -> vector<512x256xf32>
      %add3A_158 = vector.broadcast %get3A_35 : vector<1x256xf32> to vector<512x256xf32>
      %add3A_159 = arith.addf %dot_general3A_157, %add3A_158 : vector<512x256xf32>
      %max3A_160 = arith.constant 0.000000e+00 : f32
      %max3A_161 = vector.broadcast %max3A_160 : f32 to vector<512x256xf32>
      %max3A_162 = arith.maximumf %add3A_159, %max3A_161 : vector<512x256xf32>
      %dot_general3A_163 = arith.constant dense<0.000000e+00> : vector<512x256xf32>
      %dot_general3A_164 = tpu.matmul %max3A_162, %get3A_38, %dot_general3A_163 {dimension_numbers = #tpu.dot_dimension_numbers<[1], [0], [0], [1], [0, 0, 1, 1], [], []>, transpose_lhs_hint = false} : vector<512x256xf32>, vector<256x256xf32>, vector<512x256xf32> -> vector<512x256xf32>
      %add3A_165 = vector.broadcast %get3A_41 : vector<1x256xf32> to vector<512x256xf32>
      %add3A_166 = arith.addf %dot_general3A_164, %add3A_165 : vector<512x256xf32>
      %add3A_167 = arith.addf %add3A_152, %add3A_166 : vector<512x256xf32>
      %max3A_168 = arith.constant 0.000000e+00 : f32
      %max3A_169 = vector.broadcast %max3A_168 : f32 to vector<512x256xf32>
      %max3A_170 = arith.maximumf %add3A_167, %max3A_169 : vector<512x256xf32>
      %mul3A_171 = vector.broadcast %get3A_44 : vector<1x256xf32> to vector<512x256xf32>
      %mul3A_172 = arith.mulf %max3A_170, %mul3A_171 : vector<512x256xf32>
      %reduce_sum3A_173 = arith.constant dense<0.000000e+00> : vector<512xf32>
      %reduce_sum3A_174 = vector.multi_reduction <add>, %mul3A_172, %reduce_sum3A_173 [1] : vector<512x256xf32> to vector<512xf32>
      %broadcast_in_dim3A_175 = vector.shape_cast %reduce_sum3A_174 : vector<512xf32> to vector<512x1xf32>
      %add3A_176 = vector.broadcast %get3A_47 : vector<1x1xf32> to vector<512x1xf32>
      %add3A_177 = arith.addf %broadcast_in_dim3A_175, %add3A_176 : vector<512x1xf32>
      %mul3A_178 = arith.constant 1.000000e+01 : f32
      %mul3A_179 = vector.broadcast %mul3A_178 : f32 to vector<512x1xf32>
      %mul3A_180 = arith.mulf %mul3A_179, %add3A_177 : vector<512x1xf32>
      %logistic3A_181 = arith.negf %mul3A_180 : vector<512x1xf32>
      %logistic3A_182 = math.exp %logistic3A_181 : vector<512x1xf32>
      %logistic3A_183 = arith.constant 1.000000e+00 : f32
      %logistic3A_184 = vector.broadcast %logistic3A_183 : f32 to vector<512x1xf32>
      %logistic3A_185 = arith.addf %logistic3A_184, %logistic3A_182 : vector<512x1xf32>
      %logistic3A_186 = arith.divf %logistic3A_184, %logistic3A_185 : vector<512x1xf32>
      %transpose3A_187 = tpu.transpose %logistic3A_186, [1, 0] : vector<512x1xf32> -> vector<1x512xf32>
      %mul3A_188 = arith.constant 2 : i32
      %mul3A_189 = arith.muli %mul3A_188, %while3A_83 : i32
      %add3A_190 = arith.constant 1 : i32
      %add3A_191 = arith.addi %mul3A_189, %add3A_190 : i32
      %mul3A_192 = arith.constant 512 : i32
      %mul3A_193 = arith.muli %add3A_191, %mul3A_192 : i32
      %swap3A_194 = arith.constant 0 : index
      %swap3A_195 = arith.constant 0 : index
      %swap3A_196 = arith.index_cast %mul3A_193 : i32 to index
      %swap3A_197 = vector.load %arg11[%swap3A_194, %swap3A_195, %swap3A_196] : memref<1x1x4096xf32, #tpu.memory_space<vmem>>, vector<1x1x512xf32>
      %swap3A_198 = vector.shape_cast %swap3A_197 : vector<1x1x512xf32> to vector<1x512xf32>
      %swap3A_199 = vector.shape_cast %transpose3A_187 : vector<1x512xf32> to vector<1x1x512xf32>
      tpu.vector_store %arg11[%swap3A_194, %swap3A_195, %swap3A_196], %swap3A_199 {strides = array<i32>} : memref<1x1x4096xf32, #tpu.memory_space<vmem>>, vector<1x1x512xf32>,
    }
    return
  }
  func.func @transform_0(%arg0: i32, %arg1: memref<16xi32, #tpu.memory_space<smem>>) -> (i32, i32, i32) {
    %c0_i32 = arith.constant 0 : i32
    %c0_i32_0 = arith.constant 0 : i32
    %c0_i32_1 = arith.constant 0 : i32
    return %arg0, %c0_i32, %c0_i32_0 : i32, i32, i32
  }
  func.func @transform_1(%arg0: i32, %arg1: memref<16xi32, #tpu.memory_space<smem>>) -> (i32, i32, i32) {
    %c0_i32 = arith.constant 0 : i32
    %c0_i32_0 = arith.constant 0 : i32
    %c0_i32_1 = arith.constant 0 : i32
    return %arg0, %c0_i32, %c0_i32_0 : i32, i32, i32
  }
  func.func @transform_2(%arg0: i32, %arg1: memref<16xi32, #tpu.memory_space<smem>>) -> (i32, i32, i32) {
    %c0_i32 = arith.constant 0 : i32
    %c0_i32_0 = arith.constant 0 : i32
    %c0_i32_1 = arith.constant 0 : i32
    return %arg0, %c0_i32, %c0_i32_0 : i32, i32, i32
  }
  func.func @transform_3(%arg0: i32, %arg1: memref<16xi32, #tpu.memory_space<smem>>) -> (i32, i32) {
    %c0_i32 = arith.constant 0 : i32
    %c0_i32_0 = arith.constant 0 : i32
    %c0_i32_1 = arith.constant 0 : i32
    return %c0_i32, %c0_i32_0 : i32, i32
  }
  func.func @transform_4(%arg0: i32, %arg1: memref<16xi32, #tpu.memory_space<smem>>) -> (i32, i32) {
    %c0_i32 = arith.constant 0 : i32
    %c0_i32_0 = arith.constant 0 : i32
    %c0_i32_1 = arith.constant 0 : i32
    return %c0_i32, %c0_i32_0 : i32, i32
  }
  func.func @transform_5(%arg0: i32, %arg1: memref<16xi32, #tpu.memory_space<smem>>) -> (i32, i32) {
    %c0_i32 = arith.constant 0 : i32
    %c0_i32_0 = arith.constant 0 : i32
    %c0_i32_1 = arith.constant 0 : i32
    return %c0_i32, %c0_i32_0 : i32, i32
  }
  func.func @transform_6(%arg0: i32, %arg1: memref<16xi32, #tpu.memory_space<smem>>) -> (i32, i32) {
    %c0_i32 = arith.constant 0 : i32
    %c0_i32_0 = arith.constant 0 : i32
    %c0_i32_1 = arith.constant 0 : i32
    return %c0_i32, %c0_i32_0 : i32, i32
  }
  func.func @transform_7(%arg0: i32, %arg1: memref<16xi32, #tpu.memory_space<smem>>) -> (i32, i32) {
    %c0_i32 = arith.constant 0 : i32
    %c0_i32_0 = arith.constant 0 : i32
    %c0_i32_1 = arith.constant 0 : i32
    return %c0_i32, %c0_i32_0 : i32, i32
  }
  func.func @transform_8(%arg0: i32, %arg1: memref<16xi32, #tpu.memory_space<smem>>) -> (i32, i32) {
    %c0_i32 = arith.constant 0 : i32
    %c0_i32_0 = arith.constant 0 : i32
    %c0_i32_1 = arith.constant 0 : i32
    return %c0_i32, %c0_i32_0 : i32, i32
  }
  func.func @transform_9(%arg0: i32, %arg1: memref<16xi32, #tpu.memory_space<smem>>) -> (i32, i32, i32) {
    %c0_i32 = arith.constant 0 : i32
    %c0_i32_0 = arith.constant 0 : i32
    %c0_i32_1 = arith.constant 0 : i32
    return %arg0, %c0_i32, %c0_i32_0 : i32, i32, i32
  }
}

module attributes {stable_mosaic.version = 14 : i64} {
  func.func @_ptm_body(%arg0: i32, %arg1: i32, %arg2: memref<1x2048x4xf32, #tpu.memory_space<vmem>>, %arg3: memref<1x4x24xf32, #tpu.memory_space<vmem>>, %arg4: memref<1x2048x24xf32, #tpu.memory_space<vmem>>) attributes {dimension_semantics = [#tpu.dimension_semantics<parallel>, #tpu.dimension_semantics<parallel>], iteration_bounds = array<i64: 2, 2>, scalar_prefetch = 0 : i64, scratch_operands = 0 : i64, tpu.core_type = #tpu.core_type<tc>, window_params = [{transform_indices = @transform_0, window_bounds = array<i64: 1, 2048, 4>}, {transform_indices = @transform_1, window_bounds = array<i64: 1, 4, 24>}, {transform_indices = @transform_2, window_bounds = array<i64: 1, 2048, 24>}]} {
    %get3A = arith.constant 0 : index
    %get3A_0 = arith.constant 0 : index
    %get3A_1 = arith.constant 0 : index
    %get3A_2 = vector.load %arg2[%get3A, %get3A_0, %get3A_1] : memref<1x2048x4xf32, #tpu.memory_space<vmem>>, vector<1x2048x4xf32>
    %get3A_3 = vector.shape_cast %get3A_2 : vector<1x2048x4xf32> to vector<2048x4xf32>
    %get3A_4 = arith.constant 0 : index
    %get3A_5 = arith.constant 0 : index
    %get3A_6 = arith.constant 0 : index
    %get3A_7 = vector.load %arg3[%get3A_4, %get3A_5, %get3A_6] : memref<1x4x24xf32, #tpu.memory_space<vmem>>, vector<1x4x24xf32>
    %get3A_8 = vector.shape_cast %get3A_7 : vector<1x4x24xf32> to vector<4x24xf32>
    %dot_general3A = arith.constant dense<0.000000e+00> : vector<2048x24xf32>
    %dot_general3A_9 = tpu.matmul %get3A_3, %get3A_8, %dot_general3A {dimension_numbers = #tpu.dot_dimension_numbers<[1], [0], [0], [1], [0, 0, 1, 1], [], []>, transpose_lhs_hint = false} : vector<2048x4xf32>, vector<4x24xf32>, vector<2048x24xf32> -> vector<2048x24xf32>
    %swap3A = arith.constant 0 : index
    %swap3A_10 = arith.constant 0 : index
    %swap3A_11 = arith.constant 0 : index
    %swap3A_12 = vector.load %arg4[%swap3A, %swap3A_10, %swap3A_11] : memref<1x2048x24xf32, #tpu.memory_space<vmem>>, vector<1x2048x24xf32>
    %swap3A_13 = vector.shape_cast %swap3A_12 : vector<1x2048x24xf32> to vector<2048x24xf32>
    %swap3A_14 = vector.shape_cast %dot_general3A_9 : vector<2048x24xf32> to vector<1x2048x24xf32>
    tpu.vector_store %arg4[%swap3A, %swap3A_10, %swap3A_11], %swap3A_14 {strides = array<i32>} : memref<1x2048x24xf32, #tpu.memory_space<vmem>>, vector<1x2048x24xf32>,
    return
  }
  func.func @transform_0(%arg0: i32, %arg1: i32) -> (i32, i32, i32) {
    %c0_i32 = arith.constant 0 : i32
    %c0_i32_0 = arith.constant 0 : i32
    return %arg0, %arg1, %c0_i32 : i32, i32, i32
  }
  func.func @transform_1(%arg0: i32, %arg1: i32) -> (i32, i32, i32) {
    %c0_i32 = arith.constant 0 : i32
    %c0_i32_0 = arith.constant 0 : i32
    %c0_i32_1 = arith.constant 0 : i32
    return %arg0, %c0_i32, %c0_i32_0 : i32, i32, i32
  }
  func.func @transform_2(%arg0: i32, %arg1: i32) -> (i32, i32, i32) {
    %c0_i32 = arith.constant 0 : i32
    %c0_i32_0 = arith.constant 0 : i32
    return %arg0, %arg1, %c0_i32 : i32, i32, i32
  }
}

</mosaic_0001>

<sc_bundles>
// kernel: kernel.11.cloned.1.call-start
scs
__scs_entry_jumppad:
0x0: {  	(pc) =	sbr.rel $0x88, $3  }
0x1: {  	(tag) =	ssettag $0x0;
	lr =	simm.s32 $0x1  }
0x2: {  	[smem:$0x3F92] =	sst lr;
	_ =	strace $0xD0000000  }
0x3: {  	_ = 	snop  }
0x4: {  	_ = 	snop  }
0x5: {  	_ = 	snop  }
0x6: {  	_ = 	snop  }
0x7: {  	_ = 	snop  }
__scs_overlays_trampoline_lowered:
0x8: {  	[smem:$0x3FA1] =	sst s0  }
0x9: {  	[smem:$0x3FA2] =	sst s1  }
0xa: {  	[smem:$0x3FA3] =	sst s2  }
0xb: {  	[smem:$0x3FA4] =	sst s3  }
0xc: {  	[smem:$0x3FA5] =	sst s4  }
0xd: {  	[smem:$0x3FA6] =	sst s5  }
0xe: {  	[smem:$0x3FA7] =	sst s6  }
0xf: {  	[smem:$0x3FA8] =	sst s7  }
0x10: {  	[smem:$0x3FA9] =	sst s8  }
0x11: {  	[smem:$0x3FAA] =	sst s9;
	s0 =	simm.s32 @!p0 $0x0  }
0x12: {  	s1 =	sld [smem:$0x3F90];
	s0 =	simm.s32 @p0 $0x1  }
0x13: {  	[smem:$0x3FAB] =	sst s0;
	s0 =	simm.s32 @!p1 $0x0  }
0x14: {  	s2 =	sld [smem:$0x3F8F];
	s0 =	simm.s32 @p1 $0x1  }
0x15: {  	[smem:$0x3FAC] =	sst s0;
	s0 =	simm.s32 @!p2 $0x0  }
0x16: {  	s3 =	sld [smem:$0x3FDB];
	s0 =	simm.s32 @p2 $0x1  }
0x17: {  	s4 =	simm.s32 $0x1BF5;
	[smem:$0x3FAE] =	sst s0  }
0x18: {  	s0 =	sld [smem:$0x3F91];
	_ =	swait.ge [sflag:s4], $0x0  }
0x19: {  	s7 =	sld [smem:$0x3F92]  }
0x1a: {  	s8 =	sadd.s32 $0xFFFFE003, lr  }
0x1b: {  	s9 =	sadd.s32 $0xFFFFFEF7, lr;
	s5 =	simm.s32 $0xFFFFFFFF;
	p2 =	slt.u32 s8, $0xFFFFF086  }
0x1c: {  	p1 =	slt.u32 s9, $0xF7A;
	s5 =	simm.s32 @!p2 $0x0  }
0x1d: {  	s5 =	simm.s32 @p1 $0x1;
	p0 =	seq.s32 s7, s2  }
0x1e: {  	s7 =	smul.u32 @!p0 $0xF7A, s2;
	p2 =	seq.s32 @!p0 s5, $0x0  }
0x1f: {  	s9 =	smul.u32 $0xF7A, s1;
	s8 =	simm.s32 @!p0 $0x1BF5;
	p2 =	por !p2, p0  }
0x20: {  	[sflag:s8] =	ssyncset.s32 @!p0 $0xFFFFF086;
	s6 =	sadd.s32 @!p0 s3, s7;
	s7 =	simm.s32 @!p0 $0x108  }
0x21: {  	s3 =	sadd.s32 s3, s9;
	s6 =	sadd.s32 @!p0 $0x88, s6;
	s7 =	simm.s32 @p2 $0x1082  }
0x22: {  	[simem:s7], [sflag:s8] =	dma.local @!p0 [hbm:s6], $0xF7A  }
0x23: {  	s9 =	sor.u32 $0xD0000000, s2;
	s6 =	simm.s32 $0x108;
	_ =	swait.ge @!p0 [sflag:s8], $0x0  }
0x24: {  	s3 =	sadd.s32 $0x88, s3;
	s6 =	simm.s32 @!p1 $0x1082;
	[sflag:s4] =	ssyncset.s32 $0xFFFFF086  }
0x25: {  	[simem:s6], [sflag:s4] =	dma.local [hbm:s3], $0xF7A  }
0x26: {  	[smem:$0x3F92] =	sst s1;
	(tag) =	ssettag s2;
	_ =	strace s9  }
0x27: {  	s1 =	sld [smem:$0x3FA2]  }
0x28: {  	s2 =	sld [smem:$0x3FA3]  }
0x29: {  	s4 =	sld [smem:$0x3FA5]  }
0x2a: {  	p0 =	seq.s32 s5, $0x0;
	s5 =	sld [smem:$0x3FA6]  }
0x2b: {  	s6 =	sld [smem:$0x3FA7]  }
0x2c: {  	s7 =	sld [smem:$0x3FA8]  }
0x2d: {  	s3 =	simm.s32 $0x108;
	s8 =	sld [smem:$0x3FA9]  }
0x2e: {  	s3 =	simm.s32 @!p0 $0x1082;
	s9 =	sld [smem:$0x3FAA]  }
0x2f: {  	lr =	sadd.s32 s0, s3;
	s0 =	sld [smem:$0x3FA1]  }
0x30: {  	s3 =	sld [smem:$0x3FA4]  }
0x31: {  	[smem:$0x3FAD] =	sst s10  }
0x32: {  	s10 =	sld [smem:$0x3FAB];
	_ =	sdelay $0x3  }
0x33: {  	p0 =	seq.s32 s10, $0x1;
	s10 =	sld [smem:$0x3FAD];
	_ =	sdelay $0x3  }
0x34: {  	[smem:$0x3FAD] =	sst s10  }
0x35: {  	s10 =	sld [smem:$0x3FAC];
	_ =	sdelay $0x3  }
0x36: {  	p1 =	seq.s32 s10, $0x1;
	s10 =	sld [smem:$0x3FAD];
	_ =	sdelay $0x3  }
0x37: {  	[smem:$0x3FAD] =	sst s10  }
0x38: {  	s10 =	sld [smem:$0x3FAE]  }
0x39: {  	_ = 	snop;
	(pc) =	sbr.ind lr, $3  }
0x3a: {  	_ = 	snop  }
0x3b: {  	_ = 	snop  }
0x3c: {  	p2 =	seq.s32 s10, $0x1;
	s10 =	sld [smem:$0x3FAD]  }
0x3d: {  	_ =	shalt  }
0x3e: {  	_ =	shalt  }
0x3f: {  	_ =	shalt  }
0x40: {  	_ =	shalt  }
0x41: {  	_ =	shalt  }
0x42: {  	_ =	shalt  }
0x43: {  	_ =	shalt  }
0x44: {  	_ =	shalt  }
0x45: {  	_ =	shalt  }
0x46: {  	_ =	shalt  }
0x47: {  	_ =	shalt  }
0x48: {  	_ =	shalt  }
0x49: {  	_ =	shalt  }
0x4a: {  	_ =	shalt  }
0x4b: {  	_ =	shalt  }
0x4c: {  	_ =	shalt  }
0x4d: {  	_ =	shalt  }
0x4e: {  	_ =	shalt  }
0x4f: {  	_ =	shalt  }
0x50: {  	_ =	shalt  }
0x51: {  	_ =	shalt  }
0x52: {  	_ =	shalt  }
0x53: {  	_ =	shalt  }
0x54: {  	_ =	shalt  }
0x55: {  	_ =	shalt  }
0x56: {  	_ =	shalt  }
0x57: {  	_ =	shalt  }
0x58: {  	_ =	shalt  }
0x59: {  	_ =	shalt  }
0x5a: {  	_ =	shalt  }
0x5b: {  	_ =	shalt  }
0x5c: {  	_ =	shalt  }
0x5d: {  	_ =	shalt  }
0x5e: {  	_ =	shalt  }
0x5f: {  	_ =	shalt  }
0x60: {  	_ =	shalt  }
0x61: {  	_ =	shalt  }
0x62: {  	_ =	shalt  }
0x63: {  	_ =	shalt  }
0x64: {  	_ =	shalt  }
0x65: {  	_ =	shalt  }
0x66: {  	_ =	shalt  }
0x67: {  	_ =	shalt  }
0x68: {  	_ =	shalt  }
0x69: {  	_ =	shalt  }
0x6a: {  	_ =	shalt  }
0x6b: {  	_ =	shalt  }
0x6c: {  	_ =	shalt  }
0x6d: {  	_ =	shalt  }
0x6e: {  	_ =	shalt  }
0x6f: {  	_ =	shalt  }
0x70: {  	_ =	shalt  }
0x71: {  	_ =	shalt  }
0x72: {  	_ =	shalt  }
0x73: {  	_ =	shalt  }
0x74: {  	_ =	shalt  }
0x75: {  	_ =	shalt  }
0x76: {  	_ =	shalt  }
0x77: {  	_ =	shalt  }
0x78: {  	_ =	shalt  }
0x79: {  	_ =	shalt  }
0x7a: {  	_ =	shalt  }
0x7b: {  	_ =	shalt  }
0x7c: {  	_ =	shalt  }
0x7d: {  	_ =	shalt  }
0x7e: {  	_ =	shalt  }
0x7f: {  	_ =	shalt  }
0x80: {  	_ =	shalt  }
0x81: {  	_ =	shalt  }
0x82: {  	_ =	shalt  }
0x83: {  	_ =	shalt  }
0x84: {  	_ =	shalt  }
0x85: {  	_ =	shalt  }
0x86: {  	_ =	shalt  }
0x87: {  	_ =	shalt  }
.Lfunc_end0:
.L_simem_size_0:
called_computation.1_lowered:
.L_overlay_start_0:
0x88: {  	s2 =	sld [smem:$0x3FD9]  }
0x89: {  	s3 =	sld [smem:$0x3FFE];
	_ =	sdelay $0x1  }
0x8a: {  	s1 =	srdreg.scid  }
0x8b: {  	s0 =	sand.u32 $0x1, s1  }
0x8c: {  	s14 =	sshll.u32 s0, $0xA;
	s2 =	sadd.s32 s3, s2  }
0x8d: {  	s2 =	sadd.s32 s2, s14  }
0x8e: {  	[smem:$0x3FB9] =	sst s2  }
0x8f: {  	_ = 	snop  }
0x90: {  	s2 =	sld [smem:$0x3FD0];
	_ =	sdelay $0x2  }
0x91: {  	s15 =	simm.s32 $0xA;
	s4 =	simm.s32 $0x10  }
0x92: {  	[smem:s4], [sflag:s15] =	dma.local [hbm:s2], $0x1  }
0x93: {  	_ =	swait.eq [sflag:s15], $0x1  }
0x94: {  	[sflag:s15] =	ssyncset.done $0x0  }
0x95: {  	[sflag:s15] =	ssyncadd.s32 $0xFFFFFFFF  }
0x96: {  	s16 =	sld [smem:$0x10];
	(tm) =	ssettm $0x1  }
0x97: {  	s17 =	sld [smem:$0x3FFB];
	_ =	sdelay $0x3  }
0x98: {  	_ =	strace s17  }
0x99: {  	s3 =	sld [smem:$0x3FFC];
	_ =	sdelay $0x3  }
0x9a: {  	_ =	strace s3  }
0x9b: {  	s3 =	sld [smem:$0x3FFD];
	_ =	sdelay $0x3  }
0x9c: {  	_ =	strace s3  }
0x9d: {  	_ =	strace $0x8FFFFFFF  }
0x9e: {  	s18 =	sld [smem:$0x3FDB];
	_ =	sdelay $0x1  }
0x9f: {  	s19 =	simm.s32 $_scs_section_size  }
0xa0: {  	s5 =	simm.s32 $_size__tile_overlayer_lowered;
	s6 =	simm.s32 $_tile_overlayer_lowered  }
0xa1: {  	s22 =	simm.s32 $0x1BFF;
	s21 =	sshll.u32 s6, $0x1;
	s3 =	sadd.s32 s19, s18  }
0xa2: {  	s7 =	simm.s32 $0x0;
	s20 =	sshll.u32 s5, $0x1;
	s5 =	sadd.s32 s21, s3  }
0xa3: {  	[timem:s7], [sflag:s22] =	dma.local [hbm:s5], s20  }
0xa4: {  	_ =	swait.ge [sflag:s22], s20  }
0xa5: {  	s4 =	ssub.s32 $0x0, s20;
	[sflag:s22] =	ssyncset.done $0x0  }
0xa6: {  	[sflag:s22] =	ssyncadd.s32 s4;
	_ =	sdelay $0x1  }
0xa7: {  	s23 =	simm.s32 $0x1B8B  }
0xa8: {  	_ =	swait.ge [sflag:s23], $0x1  }
0xa9: {  	[sflag:s23] =	ssyncset.done $0x0  }
0xaa: {  	s25 =	simm.s32 $0x1B8E;
	s24 =	sld [smem:$0x3FFE];
	[sflag:s23] =	ssyncadd.s32 $0xFFFFFFFF  }
0xab: {  	s26 =	simm.s32 $execute0_lowered;
	[smem:$0x3FD2] =	sst s25  }
0xac: {  	s5 =	sshll.u32 s26, $0x1;
	_ =	strace $0x80000049;
	[dreg:$0x1] =	wrdreg $0xFFFFFFFF  }
0xad: {  	s28 =	simm.s32 $_size_execute0_lowered;
	s3 =	sadd.s32 s3, s5;
	[dreg:$0x0] =	wrdreg $0x0  }
0xae: {  	s5 =	sshll.u32 s28, $0x1;
	[dreg:$0x2] =	wrdreg s3  }
0xaf: {  	[dreg:$0x3] =	wrdreg s5  }
0xb0: {  	[dreg:$0x4] =	wrdreg $0xC0  }
0xb1: {  	_ =	task [dreg:s7], $0x5FFFF  }
0xb2: {  	[dreg:$0x1] =	wrdreg $0xFFFFFFFF  }
0xb3: {  	[dreg:$0x0] =	wrdreg $0x60  }
0xb4: {  	[dreg:$0x2] =	wrdreg s16  }
0xb5: {  	[dreg:$0x3] =	wrdreg s24  }
0xb6: {  	[dreg:$0x4] =	wrdreg $0x9  }
0xb7: {  	_ =	task.clear_ibuf [dreg:s7], $0x5FFFF;
	_ =	strace $0x90000049  }
0xb8: {  	s29 =	simm.s32 $0x9;
	_ =	strace $0x8000004B  }
0xb9: {  	_ =	swait.ge [sflag:s29], $0x1  }
0xba: {  	[sflag:s29] =	ssyncadd.s32 $0xFFFFFFFF  }
0xbb: {  	_ =	strace $0x9000004B  }
0xbc: {  	_ =	sfence  }
0xbd: {  	s30 =	sld [smem:$0x0];
	_ =	sdelay $0x2  }
0xbe: {  	s31 =	sshll.u32 s1, $0xD;
	s1 =	sshrl.u32 s1, $0x2  }
0xbf: {  	s3 =	sand.u32 $0x4000, s31;
	s1 =	sadd.s32 s1, s30  }
0xc0: {  	s0 =	sor.u32 s3, s0;
	s1 =	sshll.u32 s1, $0x11  }
0xc1: {  	s0 =	sor.u32 s1, s0  }
0xc2: {  	s0 =	sadd.s32 $0x8F2B, s0  }
0xc3: {  	[sflag:s0] =	ssyncadd.remote.s32 $0x1  }
0xc4: {  	_ =	sfence.sel $0xFFFF  }
0xc5: {  	[dreg:$0x0] =	wrdreg $0xFFFFFFFF;
	(pc) =	sbr.abs _section_cstart, $3  }
0xc6: {  	[dreg:$0x1] =	wrdreg $0xFFFFFFFF  }
0xc7: {  	_ =	task.clear_ibuf [dreg:s7], $0x2FFFF;
	_ =	strace $0x9FFFFFFF  }
0xc8: {  	(tm) =	ssettm $0x7FFFFFFF  }
0xc9: {  	_ =	shalt  }
tec
execute0_lowered:
.L_overlay_start_1:
0x0: {  	(tag) =	ssettag $0x1  }
0x1: {  	s1 =	stileid.u32  }
0x2: {  	p0 =	sgt.u32 s1, $0x7  }
.Ltmp0:
0x3: {  	_ = 	snop;
	(pc) =	sbr.rel @p0 .LBB2_7-.Ltmp0, $4  }
0x4: {  	s5 =	rddreg [dreg:$0x0]  }
0x5: {  	s3 =	rddreg [dreg:$0x1];
	s2 =	simm.s32 $0x0  }
0x6: {  	[smem:$0x7FF] =	sst s2  }
0x7: {  	s0 =	rddreg [dreg:$0x2];
	_ =	strace $0x8000004A  }
0x8: {  	s4 =	srdreg.scid  }
0x9: {  	s7 =	sshll.u32 s1, $0x4;
	s4 =	sand.u32 $0x1, s4  }
0xa: {  	s10 =	simm.s32 $0x1000;
	s6 =	sshll.u32 s4, $0xC;
	s8 =	ssub.s32 $0x2, s4  }
0xb: {  	s11 =	simm.s32 $0x2000;
	s6 =	sor.u32 s7, s6;
	s9 =	sshrl.u32 s8, $0x1  }
0xc: {  	s7 =	sadd.s32 s6, s3;
	s31 =	ssub.s32 s8, s9;
	s5 =	sadd.s32 s5, s6  }
0xd: {  	s8 =	simm.s32 $0x400;
	s9 =	simm.s32 $0x1;
	s3 =	sadd.s32 $0xA400, s7  }
0xe: {  	v0 =	vimm.f32 $0.0e+00;
	s4 =	sadd.s32 $0x2200, s7;
	s6 =	smax.u32 s31, $0x1;
	s7 =	simm.s32 $0x80  }
.LBB2_2:
0xf: {  	s12 =	simm.s32 $0x0  }
0x10: {  	[tilespmem:s12], [sflag:$0x1] =	stream.strided.gather [hbm4b:s5+s7], $0x1000, s8, s7, $0x38;
	[tilespmem:$0x3080] =	vst v63  }
0x11: {  	_ =	swait.ge [sflag:s9], $0x1000  }
0x12: {  	[sflag:s9] =	ssyncset.done $0x0  }
0x13: {  	[sflag:s9] =	ssyncadd.s32 $0xFFFFF000  }
0x14: {  	[tilespmem:s10], [sflag:$0x1] =	stream.strided.gather [hbm4b:s3+s7], $0x1000, s8, s7, $0x38;
	[tilespmem:$0x3080] =	vst v63  }
0x15: {  	_ =	swait.ge [sflag:s9], $0x1000  }
0x16: {  	[sflag:s9] =	ssyncset.done $0x0  }
0x17: {  	s13 =	simm.s32 $0x0;
	s12 =	simm.s32 $0x40;
	[sflag:s9] =	ssyncadd.s32 $0xFFFFF000  }
.LBB2_3:
0x18: {  	p0 =	sne.s32 s12, $0x4000;
	[tilespmem:s13+$0x2000] =	vst v0;
	s13 =	smov.u32 s12;
	s12 =	sadd.s32 $0x40, s12  }
.Ltmp1:
0x19: {  	(pc) =	sbr.rel @p0 .LBB2_3-.Ltmp1, $2  }
0x1a: {  	_ =	sdelay $0x2  }
0x1b: {  	s13 =	sshra.s32 s13, $0x2  }
0x1c: {  	[tilespmem:s13+$0x2000] =	vst v0;
	s13 =	simm.s32 $0x0;
	s12 =	simm.s32 $0x40  }
.LBB2_5:
0x1d: {  	p0 =	sne.s32 s12, $0x3FC0;
	v1 =	vld [tilespmem:s13+$0x1000];
	_ =	sdelay $0x2  }
0x1e: {  	v2 =	vld [tilespmem:s13+$0x0]  }
.Ltmp2:
0x1f: {  	(pc) =	sbr.rel @p0 .LBB2_5-.Ltmp2, $2  }
0x20: {  	_ =	sdelay $0x2  }
0x21: {  	s13 =	sshra.s32 s12, $0x2;
	s12 =	sadd.s32 $0x40, s12;
	[tilespmem:v1+s11+$0x0] =	vst.idx.msk $0xffff, v2  }
0x22: {  	v1 =	vld [tilespmem:s13+$0x1000];
	_ =	sdelay $0x2  }
0x23: {  	v2 =	vld [tilespmem:s13+$0x0];
	_ =	sdelay $0x2  }
0x24: {  	s2 =	sadd.s32 $0x1, s2  }
0x25: {  	p0 =	sne.s32 s2, s6  }
.Ltmp3:
0x26: {  	[tilespmem:v1+s11+$0x0] =	vst.idx.msk $0xffff, v2;
	(pc) =	sbr.rel @p0 .LBB2_2-.Ltmp3, $4  }
0x27: {  	[hbm4b:s4+s7] =	stream.strided.scatter [tilespmem:s11], [sflag:$0x1], $0x1000, s8, s7, $0x38;
	[tilespmem:$0x3080] =	vst v63  }
0x28: {  	_ =	swait.ge [sflag:s9], $0x1000  }
0x29: {  	[sflag:s9] =	ssyncset.done $0x0  }
0x2a: {  	[sflag:s9] =	ssyncadd.s32 $0xFFFFF000  }
.LBB2_7:
0x2b: {  	_ =	sfence.sel $0x180000  }
0x2c: {  	[bflag:$0x0] =	sbarrier.arrive $0xFFFF  }
0x2d: {  	p0 =	sne.s32 s1, $0x0;
	_ =	strace $0x9000004A  }
0x2e: {  	s0 =	sadd.s32 @!p0 $0x100000, s0;
	[bflag:$0x2] =	sbarrier.arrive $0xFFFF  }
0x2f: {  	[sflag:s0] =	ssyncadd.tile.s32 @!p0 $0x1;
	_ =	shalt  }
.Lfunc_end2:
_tile_overlayer_lowered:
.L_overlay_start_2:
0x30: {  	(tag) =	ssettag $0x2  }
0x31: {  	s0 =	rddreg [dreg:$0x0];
	s2 =	stileid.u32  }
0x32: {  	s1 =	rddreg [dreg:$0x1];
	p0 =	sne.s32 s2, $0x0  }
0x33: {  	s3 =	rddreg [dreg:$0x2];
	[bflag:$0x3] =	sbarrier.arrive $0xFFFF;
	s2 =	simm.s32 @!p0 $0x1C01  }
0x34: {  	[timem:s3], [sflag:s2] =	dma.local @!p0 [hbm:s0], s1  }
0x35: {  	s0 =	simm.s32 @!p0 $0x1  }
0x36: {  	_ =	swait.ge @!p0 [sflag:s0], s1  }
0x37: {  	s1 =	ssub.s32 @!p0 $0x0, s1;
	[sflag:s0] =	ssyncset.done @!p0 $0x0  }
0x38: {  	[sflag:s0] =	ssyncadd.s32 @!p0 s1  }
0x39: {  	[bflag:$0x3] =	sbarrier.arrive $0xFFFF  }
0x3a: {  	_ =	shalt  }

// kernel: kernel.8.cloned.1.call-start
scs
__scs_entry_jumppad:
0x0: {  	(pc) =	sbr.rel $0x88, $3  }
0x1: {  	(tag) =	ssettag $0x0;
	lr =	simm.s32 $0x1  }
0x2: {  	[smem:$0x3F92] =	sst lr;
	_ =	strace $0xD0000000  }
0x3: {  	_ = 	snop  }
0x4: {  	_ = 	snop  }
0x5: {  	_ = 	snop  }
0x6: {  	_ = 	snop  }
0x7: {  	_ = 	snop  }
__scs_overlays_trampoline_lowered:
0x8: {  	[smem:$0x3FA1] =	sst s0  }
0x9: {  	[smem:$0x3FA2] =	sst s1  }
0xa: {  	[smem:$0x3FA3] =	sst s2  }
0xb: {  	[smem:$0x3FA4] =	sst s3  }
0xc: {  	[smem:$0x3FA5] =	sst s4  }
0xd: {  	[smem:$0x3FA6] =	sst s5  }
0xe: {  	[smem:$0x3FA7] =	sst s6  }
0xf: {  	[smem:$0x3FA8] =	sst s7  }
0x10: {  	[smem:$0x3FA9] =	sst s8  }
0x11: {  	[smem:$0x3FAA] =	sst s9;
	s0 =	simm.s32 @!p0 $0x0  }
0x12: {  	s1 =	sld [smem:$0x3F90];
	s0 =	simm.s32 @p0 $0x1  }
0x13: {  	[smem:$0x3FAB] =	sst s0;
	s0 =	simm.s32 @!p1 $0x0  }
0x14: {  	s2 =	sld [smem:$0x3F8F];
	s0 =	simm.s32 @p1 $0x1  }
0x15: {  	[smem:$0x3FAC] =	sst s0;
	s0 =	simm.s32 @!p2 $0x0  }
0x16: {  	s3 =	sld [smem:$0x3FDB];
	s0 =	simm.s32 @p2 $0x1  }
0x17: {  	s4 =	simm.s32 $0x1BF5;
	[smem:$0x3FAE] =	sst s0  }
0x18: {  	s0 =	sld [smem:$0x3F91];
	_ =	swait.ge [sflag:s4], $0x0  }
0x19: {  	s7 =	sld [smem:$0x3F92]  }
0x1a: {  	s8 =	sadd.s32 $0xFFFFE003, lr  }
0x1b: {  	s9 =	sadd.s32 $0xFFFFFEF7, lr;
	s5 =	simm.s32 $0xFFFFFFFF;
	p2 =	slt.u32 s8, $0xFFFFF086  }
0x1c: {  	p1 =	slt.u32 s9, $0xF7A;
	s5 =	simm.s32 @!p2 $0x0  }
0x1d: {  	s5 =	simm.s32 @p1 $0x1;
	p0 =	seq.s32 s7, s2  }
0x1e: {  	s7 =	smul.u32 @!p0 $0xF7A, s2;
	p2 =	seq.s32 @!p0 s5, $0x0  }
0x1f: {  	s9 =	smul.u32 $0xF7A, s1;
	s8 =	simm.s32 @!p0 $0x1BF5;
	p2 =	por !p2, p0  }
0x20: {  	[sflag:s8] =	ssyncset.s32 @!p0 $0xFFFFF086;
	s6 =	sadd.s32 @!p0 s3, s7;
	s7 =	simm.s32 @!p0 $0x108  }
0x21: {  	s3 =	sadd.s32 s3, s9;
	s6 =	sadd.s32 @!p0 $0x88, s6;
	s7 =	simm.s32 @p2 $0x1082  }
0x22: {  	[simem:s7], [sflag:s8] =	dma.local @!p0 [hbm:s6], $0xF7A  }
0x23: {  	s9 =	sor.u32 $0xD0000000, s2;
	s6 =	simm.s32 $0x108;
	_ =	swait.ge @!p0 [sflag:s8], $0x0  }
0x24: {  	s3 =	sadd.s32 $0x88, s3;
	s6 =	simm.s32 @!p1 $0x1082;
	[sflag:s4] =	ssyncset.s32 $0xFFFFF086  }
0x25: {  	[simem:s6], [sflag:s4] =	dma.local [hbm:s3], $0xF7A  }
0x26: {  	[smem:$0x3F92] =	sst s1;
	(tag) =	ssettag s2;
	_ =	strace s9  }
0x27: {  	s1 =	sld [smem:$0x3FA2]  }
0x28: {  	s2 =	sld [smem:$0x3FA3]  }
0x29: {  	s4 =	sld [smem:$0x3FA5]  }
0x2a: {  	p0 =	seq.s32 s5, $0x0;
	s5 =	sld [smem:$0x3FA6]  }
0x2b: {  	s6 =	sld [smem:$0x3FA7]  }
0x2c: {  	s7 =	sld [smem:$0x3FA8]  }
0x2d: {  	s3 =	simm.s32 $0x108;
	s8 =	sld [smem:$0x3FA9]  }
0x2e: {  	s3 =	simm.s32 @!p0 $0x1082;
	s9 =	sld [smem:$0x3FAA]  }
0x2f: {  	lr =	sadd.s32 s0, s3;
	s0 =	sld [smem:$0x3FA1]  }
0x30: {  	s3 =	sld [smem:$0x3FA4]  }
0x31: {  	[smem:$0x3FAD] =	sst s10  }
0x32: {  	s10 =	sld [smem:$0x3FAB];
	_ =	sdelay $0x3  }
0x33: {  	p0 =	seq.s32 s10, $0x1;
	s10 =	sld [smem:$0x3FAD];
	_ =	sdelay $0x3  }
0x34: {  	[smem:$0x3FAD] =	sst s10  }
0x35: {  	s10 =	sld [smem:$0x3FAC];
	_ =	sdelay $0x3  }
0x36: {  	p1 =	seq.s32 s10, $0x1;
	s10 =	sld [smem:$0x3FAD];
	_ =	sdelay $0x3  }
0x37: {  	[smem:$0x3FAD] =	sst s10  }
0x38: {  	s10 =	sld [smem:$0x3FAE]  }
0x39: {  	_ = 	snop;
	(pc) =	sbr.ind lr, $3  }
0x3a: {  	_ = 	snop  }
0x3b: {  	_ = 	snop  }
0x3c: {  	p2 =	seq.s32 s10, $0x1;
	s10 =	sld [smem:$0x3FAD]  }
0x3d: {  	_ =	shalt  }
0x3e: {  	_ =	shalt  }
0x3f: {  	_ =	shalt  }
0x40: {  	_ =	shalt  }
0x41: {  	_ =	shalt  }
0x42: {  	_ =	shalt  }
0x43: {  	_ =	shalt  }
0x44: {  	_ =	shalt  }
0x45: {  	_ =	shalt  }
0x46: {  	_ =	shalt  }
0x47: {  	_ =	shalt  }
0x48: {  	_ =	shalt  }
0x49: {  	_ =	shalt  }
0x4a: {  	_ =	shalt  }
0x4b: {  	_ =	shalt  }
0x4c: {  	_ =	shalt  }
0x4d: {  	_ =	shalt  }
0x4e: {  	_ =	shalt  }
0x4f: {  	_ =	shalt  }
0x50: {  	_ =	shalt  }
0x51: {  	_ =	shalt  }
0x52: {  	_ =	shalt  }
0x53: {  	_ =	shalt  }
0x54: {  	_ =	shalt  }
0x55: {  	_ =	shalt  }
0x56: {  	_ =	shalt  }
0x57: {  	_ =	shalt  }
0x58: {  	_ =	shalt  }
0x59: {  	_ =	shalt  }
0x5a: {  	_ =	shalt  }
0x5b: {  	_ =	shalt  }
0x5c: {  	_ =	shalt  }
0x5d: {  	_ =	shalt  }
0x5e: {  	_ =	shalt  }
0x5f: {  	_ =	shalt  }
0x60: {  	_ =	shalt  }
0x61: {  	_ =	shalt  }
0x62: {  	_ =	shalt  }
0x63: {  	_ =	shalt  }
0x64: {  	_ =	shalt  }
0x65: {  	_ =	shalt  }
0x66: {  	_ =	shalt  }
0x67: {  	_ =	shalt  }
0x68: {  	_ =	shalt  }
0x69: {  	_ =	shalt  }
0x6a: {  	_ =	shalt  }
0x6b: {  	_ =	shalt  }
0x6c: {  	_ =	shalt  }
0x6d: {  	_ =	shalt  }
0x6e: {  	_ =	shalt  }
0x6f: {  	_ =	shalt  }
0x70: {  	_ =	shalt  }
0x71: {  	_ =	shalt  }
0x72: {  	_ =	shalt  }
0x73: {  	_ =	shalt  }
0x74: {  	_ =	shalt  }
0x75: {  	_ =	shalt  }
0x76: {  	_ =	shalt  }
0x77: {  	_ =	shalt  }
0x78: {  	_ =	shalt  }
0x79: {  	_ =	shalt  }
0x7a: {  	_ =	shalt  }
0x7b: {  	_ =	shalt  }
0x7c: {  	_ =	shalt  }
0x7d: {  	_ =	shalt  }
0x7e: {  	_ =	shalt  }
0x7f: {  	_ =	shalt  }
0x80: {  	_ =	shalt  }
0x81: {  	_ =	shalt  }
0x82: {  	_ =	shalt  }
0x83: {  	_ =	shalt  }
0x84: {  	_ =	shalt  }
0x85: {  	_ =	shalt  }
0x86: {  	_ =	shalt  }
0x87: {  	_ =	shalt  }
.Lfunc_end0:
.L_simem_size_0:
called_computation_lowered:
.L_overlay_start_0:
0x88: {  	s2 =	sld [smem:$0x3FD9]  }
0x89: {  	s3 =	sld [smem:$0x3FFE];
	_ =	sdelay $0x1  }
0x8a: {  	s1 =	srdreg.scid  }
0x8b: {  	s0 =	sand.u32 $0x1, s1  }
0x8c: {  	s14 =	sshll.u32 s0, $0xA;
	s2 =	sadd.s32 s3, s2  }
0x8d: {  	s2 =	sadd.s32 s2, s14  }
0x8e: {  	[smem:$0x3FB9] =	sst s2  }
0x8f: {  	_ = 	snop  }
0x90: {  	s2 =	sld [smem:$0x3FD0];
	_ =	sdelay $0x2  }
0x91: {  	s15 =	simm.s32 $0xA;
	s4 =	simm.s32 $0x10  }
0x92: {  	[smem:s4], [sflag:s15] =	dma.local [hbm:s2], $0x1  }
0x93: {  	_ =	swait.eq [sflag:s15], $0x1  }
0x94: {  	[sflag:s15] =	ssyncset.done $0x0  }
0x95: {  	s16 =	sld [smem:$0x10];
	[sflag:s15] =	ssyncadd.s32 $0xFFFFFFFF  }
0x96: {  	s17 =	sld [smem:$0x11];
	(tm) =	ssettm $0x1  }
0x97: {  	s18 =	sld [smem:$0x3FFB];
	_ =	sdelay $0x3  }
0x98: {  	_ =	strace s18  }
0x99: {  	s4 =	sld [smem:$0x3FFC];
	_ =	sdelay $0x3  }
0x9a: {  	_ =	strace s4  }
0x9b: {  	s4 =	sld [smem:$0x3FFD];
	_ =	sdelay $0x3  }
0x9c: {  	_ =	strace s4  }
0x9d: {  	_ =	strace $0x8FFFFFFF  }
0x9e: {  	s19 =	sld [smem:$0x3FDB];
	_ =	sdelay $0x1  }
0x9f: {  	s5 =	simm.s32 $_scs_section_size  }
0xa0: {  	s6 =	simm.s32 $_size__tile_overlayer_lowered;
	s7 =	simm.s32 $_tile_overlayer_lowered  }
0xa1: {  	s22 =	simm.s32 $0x1BFF;
	s21 =	sshll.u32 s7, $0x1;
	s4 =	sadd.s32 s5, s19  }
0xa2: {  	s8 =	simm.s32 $0x0;
	s20 =	sshll.u32 s6, $0x1;
	s6 =	sadd.s32 s21, s4  }
0xa3: {  	[timem:s8], [sflag:s22] =	dma.local [hbm:s6], s20  }
0xa4: {  	_ =	swait.ge [sflag:s22], s20  }
0xa5: {  	s5 =	ssub.s32 $0x0, s20;
	[sflag:s22] =	ssyncset.done $0x0  }
0xa6: {  	[sflag:s22] =	ssyncadd.s32 s5;
	_ =	sdelay $0x1  }
0xa7: {  	s23 =	simm.s32 $0x1B8B  }
0xa8: {  	_ =	swait.ge [sflag:s23], $0x1  }
0xa9: {  	[sflag:s23] =	ssyncset.done $0x0  }
0xaa: {  	s25 =	simm.s32 $0x1B8E;
	s24 =	sld [smem:$0x3FFE];
	[sflag:s23] =	ssyncadd.s32 $0xFFFFFFFF  }
0xab: {  	s26 =	simm.s32 $execute0_lowered;
	[smem:$0x3FD2] =	sst s25  }
0xac: {  	s6 =	sshll.u32 s26, $0x1;
	_ =	strace $0x80000046;
	[dreg:$0x1] =	wrdreg $0xFFFFFFFF  }
0xad: {  	s28 =	simm.s32 $_size_execute0_lowered;
	s4 =	sadd.s32 s4, s6;
	[dreg:$0x0] =	wrdreg $0x0  }
0xae: {  	s6 =	sshll.u32 s28, $0x1;
	[dreg:$0x2] =	wrdreg s4  }
0xaf: {  	[dreg:$0x3] =	wrdreg s6  }
0xb0: {  	[dreg:$0x4] =	wrdreg $0xC0  }
0xb1: {  	_ =	task [dreg:s8], $0x5FFFF  }
0xb2: {  	[dreg:$0x1] =	wrdreg $0xFFFFFFFF  }
0xb3: {  	[dreg:$0x0] =	wrdreg $0x60  }
0xb4: {  	[dreg:$0x2] =	wrdreg s16  }
0xb5: {  	[dreg:$0x3] =	wrdreg s17  }
0xb6: {  	[dreg:$0x4] =	wrdreg s24  }
0xb7: {  	[dreg:$0x5] =	wrdreg $0x9  }
0xb8: {  	_ =	task.clear_ibuf [dreg:s8], $0x6FFFF;
	_ =	strace $0x90000046  }
0xb9: {  	s29 =	simm.s32 $0x9;
	_ =	strace $0x80000048  }
0xba: {  	_ =	swait.ge [sflag:s29], $0x1  }
0xbb: {  	[sflag:s29] =	ssyncadd.s32 $0xFFFFFFFF  }
0xbc: {  	_ =	strace $0x90000048  }
0xbd: {  	_ =	sfence  }
0xbe: {  	s30 =	sld [smem:$0x0];
	_ =	sdelay $0x2  }
0xbf: {  	s31 =	sshll.u32 s1, $0xD;
	s1 =	sshrl.u32 s1, $0x2  }
0xc0: {  	s3 =	sand.u32 $0x4000, s31;
	s1 =	sadd.s32 s1, s30  }
0xc1: {  	s0 =	sor.u32 s3, s0;
	s1 =	sshll.u32 s1, $0x11  }
0xc2: {  	s0 =	sor.u32 s1, s0  }
0xc3: {  	s0 =	sadd.s32 $0x8F2B, s0  }
0xc4: {  	[sflag:s0] =	ssyncadd.remote.s32 $0x1  }
0xc5: {  	_ =	sfence.sel $0xFFFF  }
0xc6: {  	[dreg:$0x0] =	wrdreg $0xFFFFFFFF;
	(pc) =	sbr.abs _section_cstart, $3  }
0xc7: {  	[dreg:$0x1] =	wrdreg $0xFFFFFFFF  }
0xc8: {  	_ =	task.clear_ibuf [dreg:s8], $0x2FFFF;
	_ =	strace $0x9FFFFFFF  }
0xc9: {  	(tm) =	ssettm $0x7FFFFFFF  }
tec
execute0_lowered:
.L_overlay_start_1:
0x0: {  	(tag) =	ssettag $0x1  }
0x1: {  	s4 =	stileid.u32  }
0x2: {  	p1 =	sgt.u32 s4, $0x7  }
.Ltmp0:
0x3: {  	s7 =	rddreg [dreg:$0x0];
	(pc) =	sbr.rel @p1 .LBB2_9-.Ltmp0, $4  }
0x4: {  	s3 =	rddreg [dreg:$0x1]  }
0x5: {  	s2 =	rddreg [dreg:$0x2];
	s1 =	simm.s32 $0x0  }
0x6: {  	[smem:$0x7FF] =	sst s1  }
0x7: {  	s0 =	rddreg [dreg:$0x3];
	p0 =	sne.s32 s4, $0x0;
	_ =	strace $0x80000047  }
0x8: {  	s5 =	srdreg.scid  }
0x9: {  	s26 =	sshll.u32 s4, $0x7;
	s9 =	simm.s32 $0x1;
	s6 =	sand.u32 $0x1, s5  }
0xa: {  	s14 =	simm.s32 $0xA100;
	s15 =	simm.s32 $0x6100;
	s8 =	sor.u32 s4, s6  }
0xb: {  	s28 =	sshll.u32 s6, $0xF;
	s10 =	sshll.u32 s6, $0x11;
	s13 =	sshll.u32 s6, $0xA  }
0xc: {  	s30 =	ssub.s32 $0x2, s6;
	p1 =	seq.s32 s8, $0x0;
	s8 =	sor.u32 s26, s28  }
0xd: {  	s10 =	sor.u32 s26, s10;
	s4 =	sadd.s32 s26, s13;
	s31 =	sshrl.u32 s30, $0x1  }
0xe: {  	s13 =	simm.s32 $0x5080;
	p1 =	por !p0, !p1;
	s8 =	sshrl.u32 s8, $0x3  }
0xf: {  	s10 =	sshrl.u32 s10, $0x3;
	s4 =	sshrl.u32 s4, $0x3;
	p1 =	por !p1, !p1  }
0x10: {  	s11 =	sadd.s32 s8, s2;
	s10 =	sadd.s32 s10, s2;
	s9 =	simm.s32 @!p1 $0x0  }
0x11: {  	s4 =	sadd.s32 s4, s2;
	s2 =	simm.s32 $0x1;
	s12 =	ssub.s32 s6, s9  }
0x12: {  	s7 =	sadd.s32 s7, s8;
	s5 =	sadd.s32 s9, s5;
	s29 =	sshrl.u32 s12, $0x1  }
0x13: {  	s4 =	sadd.s32 $0x2200, s4;
	s5 =	sshll.u32 s5, $0x7;
	s9 =	smul.u32 $0x8100, s29  }
0x14: {  	s6 =	sadd.s32 $0x2400, s10;
	s10 =	simm.s32 $0x400;
	s5 =	sand.u32 $0x80, s5  }
0x15: {  	s12 =	simm.s32 $0x1000;
	s5 =	sor.u32 s5, s9;
	s9 =	ssub.s32 s30, s31  }
0x16: {  	v0 =	vlaneseq.u32;
	s5 =	sshrl.u32 s5, $0x3;
	s8 =	smax.u32 s9, $0x1;
	s9 =	simm.s32 $0x80  }
0x17: {  	v1 =	vimm.s32 $0x1000;
	v3 =	vimm.f32 $1.000000000e+00;
	v2 =	vmul.u32 $0x4, v0;
	s3 =	sadd.s32 s3, s5;
	s5 =	sadd.s32 $0xA400, s11;
	s11 =	simm.s32 $0x100  }
.LBB2_2:
0x18: {  	s16 =	simm.s32 $0x0  }
0x19: {  	[tilespmem:s16], [sflag:$0x1] =	stream.strided.gather [hbm4b:s7+s9], $0x1000, s10, s9, $0x38;
	[tilespmem:$0xA180] =	vst v63  }
0x1a: {  	_ =	swait.ge [sflag:s2], $0x1000  }
0x1b: {  	[sflag:s2] =	ssyncset.done $0x0  }
0x1c: {  	[sflag:s2] =	ssyncadd.s32 $0xFFFFF000  }
0x1d: {  	[tilespmem:s12], [sflag:$0x1] =	stream.strided.gather [hbm4b:s3+s9], $0x4080, s11, s9, $0x38;
	[tilespmem:$0xA180] =	vst v63  }
0x1e: {  	_ =	swait.ge [sflag:s2], $0x4080  }
0x1f: {  	[sflag:s2] =	ssyncset.done $0x0  }
0x20: {  	s17 =	simm.s32 $0x40;
	s18 =	simm.s32 $0x0;
	[sflag:s2] =	ssyncadd.s32 $0xFFFFBF80  }
.LBB2_3:
0x21: {  	p1 =	sne.s32 s17, $0x4000;
	[tilespmem:s18+$0x5080] =	vst v1;
	s18 =	smov.u32 s17;
	s17 =	sadd.s32 $0x40, s17  }
.Ltmp1:
0x22: {  	(pc) =	sbr.rel @p1 .LBB2_3-.Ltmp1, $2  }
0x23: {  	_ =	sdelay $0x2  }
0x24: {  	s18 =	sshra.s32 s18, $0x2  }
0x25: {  	[tilespmem:s18+$0x5080] =	vst v1  }
0x26: {  	v4 =	vld [tilespmem:s16+$0x0];
	_ =	sdelay $0x4  }
0x27: {  	(xrf0) =	vadd.scan.msk.s32 $0xffff, v4;
	_ =	sdelay $0x5  }
0x28: {  	vm0 =	vgt.s32 v4, $0x0;
	v4 =	vsub.s32 s16, v4;
	v5, _, _ =	vpop (xrf0)  }
0x29: {  	v4 =	vadd.s32 v5, v4;
	(v2sf) =	vpush v5, $0xF;
	_ =	sdelay $0x3  }
0x2a: {  	v6 =	vor.u32 s16, v0  }
0x2b: {  	s17 =	simm.s32 $0x10;
	[tilespmem:v4+s13+$0x0] =	vst.idx.msk vm0, v6  }
0x2c: {  	s18 =	simm.s32 $0x20;
	s19 =	simm.s32 $0x10;
	v4 =	vld [tilespmem:s17+$0x0]  }
.LBB2_5:
0x2d: {  	p1 =	sne.s32 s18, $0xFF0;
	_ =	sdelay $0x3  }
0x2e: {  	vm0 =	vgt.s32 v4, $0x0;
	(xrf0) =	vadd.scan.msk.s32 $0xffff, v4;
	_ =	sdelay $0x3  }
0x2f: {  	s20 =	spop (v2sf)  }
0x30: {  	s16 =	sadd.s32 s16, s20  }
0x31: {  	v4 =	vsub.s32 s16, v4;
	v5, _, _ =	vpop (xrf0)  }
0x32: {  	v4 =	vadd.s32 v5, v4;
	(v2sf) =	vpush v5, $0xF;
	_ =	sdelay $0x1  }
.Ltmp2:
0x33: {  	(pc) =	sbr.rel @p1 .LBB2_5-.Ltmp2, $4  }
0x34: {  	_ = 	snop  }
0x35: {  	v5 =	vor.u32 s17, v0;
	s17 =	smov.u32 s18  }
0x36: {  	s19 =	sadd.s32 $0x10, s19;
	[tilespmem:v4+s13+$0x0] =	vst.idx.msk vm0, v5  }
0x37: {  	s18 =	sadd.s32 $0x10, s18;
	v4 =	vld [tilespmem:s19+$0x0]  }
0x38: {  	_ =	sdelay $0x3  }
0x39: {  	(xrf0) =	vadd.scan.msk.s32 $0xffff, v4;
	_ =	sdelay $0x5  }
0x3a: {  	v5, _, _ =	vpop (xrf0)  }
0x3b: {  	(v2sf) =	vpush v5, $0xF;
	_ =	sdelay $0x8  }
0x3c: {  	s18 =	spop (v2sf)  }
0x3d: {  	s16 =	sadd.s32 s16, s18  }
0x3e: {  	vm0 =	vgt.s32 v4, $0x0;
	v4 =	vsub.s32 s16, v4  }
0x3f: {  	v4 =	vadd.s32 v5, v4;
	_ =	sdelay $0x2  }
0x40: {  	s30 =	spop (v2sf)  }
0x41: {  	v5 =	vor.u32 s17, v0;
	s16 =	sadd.s32 s16, s30  }
0x42: {  	[tilespmem:v4+s13+$0x0] =	vst.idx.msk vm0, v5;
	v4 =	vmov s16  }
0x43: {  	s31 =	simm.s32 $0x0;
	[tilespmem:$0xA100] =	vst v4  }
0x44: {  	[hbm4b:s4+s31] =	stream.linear.scatter [tilespmem:s14], [sflag:$0x1], $0x80, $0x38;
	[tilespmem:$0xA180] =	vst v63  }
0x45: {  	_ =	swait.ge [sflag:s2], $0x80  }
0x46: {  	[sflag:s2] =	ssyncset.done $0x0  }
0x47: {  	s16 =	simm.s32 $0x5080;
	[sflag:s2] =	ssyncadd.s32 $0xFFFFFF80  }
0x48: {  	v4 =	vld [tilespmem:s16+$0x0];
	_ =	sdelay $0x4  }
0x49: {  	v4 =	vshll.u32 v4, $0x2;
	_ =	sdelay $0x2  }
0x4a: {  	v5 =	vmov s31  }
0x4b: {  	v5 =	vshll.u32 v5, $0x2  }
0x4c: {  	v5 =	vor.u32 v2, v5;
	v6 =	vld.idx.msk [tilespmem:v4+s12+$0x0], $0xffff  }
0x4d: {  	v7 =	vor.u32 $0x1, v4;
	_ =	sdelay $0x3  }
0x4e: {  	[tilespmem:v5+s15+$0x0] =	vst.idx.msk $0xffff, v6  }
0x4f: {  	v6 =	vld.idx.msk [tilespmem:v7+s12+$0x0], $0xffff;
	v7 =	vor.u32 $0x1, v5  }
0x50: {  	v4 =	vor.u32 $0x2, v4;
	_ =	sdelay $0x3  }
0x51: {  	[tilespmem:v7+s15+$0x0] =	vst.idx.msk $0xffff, v6  }
0x52: {  	v7 =	vor.u32 $0x2, v5;
	v6 =	vld.idx.msk [tilespmem:v4+s12+$0x0], $0xffff;
	_ =	sdelay $0x1  }
0x53: {  	v4 =	vor.u32 $0x3, v5;
	_ =	sdelay $0x2  }
0x54: {  	s17 =	simm.s32 $0x10;
	[tilespmem:v7+s15+$0x0] =	vst.idx.msk $0xffff, v6  }
.LBB2_7:
0x55: {  	p1 =	sne.s32 s17, $0xFF0  }
0x56: {  	[tilespmem:v4+s15+$0x0] =	vst.idx.msk $0xffff, v3;
	s16 =	sadd.s32 $0x10, s16;
	s18 =	smov.u32 s17;
	s17 =	sadd.s32 $0x10, s17  }
0x57: {  	v4 =	vld [tilespmem:s16+$0x0];
	_ =	sdelay $0x4  }
0x58: {  	v4 =	vshll.u32 v4, $0x2;
	_ =	sdelay $0x3  }
0x59: {  	v5 =	vmov s18  }
0x5a: {  	v5 =	vshll.u32 v5, $0x2;
	v6 =	vld.idx.msk [tilespmem:v4+s12+$0x0], $0xffff  }
0x5b: {  	v5 =	vor.u32 v2, v5  }
0x5c: {  	v7 =	vor.u32 $0x1, v4;
	_ =	sdelay $0x3  }
0x5d: {  	[tilespmem:v5+s15+$0x0] =	vst.idx.msk $0xffff, v6  }
0x5e: {  	v6 =	vld.idx.msk [tilespmem:v7+s12+$0x0], $0xffff  }
0x5f: {  	v7 =	vor.u32 $0x1, v5  }
0x60: {  	v4 =	vor.u32 $0x2, v4;
	_ =	sdelay $0x3  }
0x61: {  	[tilespmem:v7+s15+$0x0] =	vst.idx.msk $0xffff, v6  }
0x62: {  	v6 =	vld.idx.msk [tilespmem:v4+s12+$0x0], $0xffff  }
0x63: {  	v7 =	vor.u32 $0x2, v5  }
.Ltmp3:
0x64: {  	v4 =	vor.u32 $0x3, v5;
	(pc) =	sbr.rel @p1 .LBB2_7-.Ltmp3, $2  }
0x65: {  	_ =	sdelay $0x2  }
0x66: {  	[tilespmem:v7+s15+$0x0] =	vst.idx.msk $0xffff, v6  }
0x67: {  	_ =	sdelay $0x3  }
0x68: {  	[tilespmem:v4+s15+$0x0] =	vst.idx.msk $0xffff, v3  }
0x69: {  	[hbm4b:s5+s9] =	stream.strided.scatter [tilespmem:s13], [sflag:$0x1], $0x1000, s10, s9, $0x38;
	[tilespmem:$0xA180] =	vst v63  }
0x6a: {  	s1 =	sadd.s32 $0x1, s1;
	_ =	swait.ge [sflag:s2], $0x1000  }
0x6b: {  	p1 =	sne.s32 s1, s8;
	[sflag:s2] =	ssyncset.done $0x0  }
.Ltmp4:
0x6c: {  	[sflag:s2] =	ssyncadd.s32 $0xFFFFF000;
	(pc) =	sbr.rel @p1 .LBB2_2-.Ltmp4, $4  }
0x6d: {  	[hbm4b:s6+s9] =	stream.strided.scatter [tilespmem:s15], [sflag:$0x1], $0x4000, s10, s9, $0x38;
	[tilespmem:$0xA180] =	vst v63  }
0x6e: {  	_ =	swait.ge [sflag:s2], $0x4000  }
0x6f: {  	[sflag:s2] =	ssyncset.done $0x0  }
0x70: {  	[sflag:s2] =	ssyncadd.s32 $0xFFFFC000  }
.LBB2_9:
0x71: {  	_ =	sfence.sel $0x180000  }
0x72: {  	[bflag:$0x0] =	sbarrier.arrive $0xFFFF  }
0x73: {  	_ =	strace $0x90000047  }
0x74: {  	s0 =	sadd.s32 @!p0 $0x100000, s0;
	[bflag:$0x2] =	sbarrier.arrive $0xFFFF  }
0x75: {  	[sflag:s0] =	ssyncadd.tile.s32 @!p0 $0x1;
	_ =	shalt  }
.Lfunc_end2:
_tile_overlayer_lowered:
.L_overlay_start_2:
0x76: {  	(tag) =	ssettag $0x2  }
0x77: {  	s0 =	rddreg [dreg:$0x0];
	s2 =	stileid.u32  }
0x78: {  	s1 =	rddreg [dreg:$0x1];
	p0 =	sne.s32 s2, $0x0  }
0x79: {  	s3 =	rddreg [dreg:$0x2];
	[bflag:$0x3] =	sbarrier.arrive $0xFFFF;
	s2 =	simm.s32 @!p0 $0x1C01  }
0x7a: {  	[timem:s3], [sflag:s2] =	dma.local @!p0 [hbm:s0], s1  }
0x7b: {  	s0 =	simm.s32 @!p0 $0x1  }
0x7c: {  	_ =	swait.ge @!p0 [sflag:s0], s1  }
0x7d: {  	s1 =	ssub.s32 @!p0 $0x0, s1;
	[sflag:s0] =	ssyncset.done @!p0 $0x0  }
0x7e: {  	[sflag:s0] =	ssyncadd.s32 @!p0 s1  }
0x7f: {  	[bflag:$0x3] =	sbarrier.arrive $0xFFFF  }
0x80: {  	_ =	shalt  }

</sc_bundles>
